<compile_context>
chip_gen: v7x
topology: tpu7x:2x2x1
jax: 0.10.2.dev20260603
libtpu: 0.0.44.dev20260713+nightly
codegen_flags: <defaults>
</compile_context>

<pallas_src>
import functools

import numpy as np
import jax
import jax.numpy as jnp
from jax import lax
from jax.experimental import pallas as pl
from jax.experimental.pallas import tpu as pltpu
from jax.experimental.pallas import tpu_sc as plsc

B, C, T = 4, 768, 2048
K = 3
FP = 1152
TW = 2 * T
R = 128
RI = 384
NROWS = B * C
TT = 512


def _dft_consts():
    t = np.arange(T, dtype=np.float64)[:, None]
    f = np.arange(FP, dtype=np.float64)[None, :]
    angf = 2.0 * np.pi * ((t * f) % T) / T
    fvalid = (f <= T // 2)
    cosm = np.where(fvalid, np.cos(angf), 0.0)
    sinm = np.where(fvalid, np.sin(angf), 0.0)
    a = np.arange(FP, dtype=np.float64)[:, None]
    b = np.arange(FP, dtype=np.float64)[None, :]
    angi = 2.0 * np.pi * ((a * b) % T) / T
    ivalid = (a <= T // 2) & (b <= T // 2)
    wf = np.where((a == 0) | (a == T // 2), 1.0, 2.0)
    icos = np.where(ivalid, wf * np.cos(angi) / (T * T), 0.0)
    isin = np.where(ivalid, wf * np.sin(angi) / (T * T), 0.0)
    return (cosm.astype(np.float32), sinm.astype(np.float32),
            icos.astype(np.float32), isin.astype(np.float32))


_COSM, _SINM, _ICOS, _ISIN = _dft_consts()


def _proj_body(wq, bq, wk, bk, wv, bv, x_q, x_k, x_v, q_out, k_out, v_out):
    q_out[0] = jnp.dot(wq[...], x_q[0], preferred_element_type=jnp.float32) + bq[...]
    k_out[0] = jnp.dot(wk[...], x_k[0], preferred_element_type=jnp.float32) + bk[...]
    v_out[0] = jnp.dot(wv[...], x_v[0], preferred_element_type=jnp.float32) + bv[...]


def _proj(query, key_in, value, Wq, bq, Wk, bk, Wv, bv):
    full = pl.BlockSpec((C, C), lambda b, t: (0, 0))
    bias = pl.BlockSpec((C, 1), lambda b, t: (0, 0))
    xblk = pl.BlockSpec((1, C, TT), lambda b, t: (b, 0, t))
    return pl.pallas_call(
        _proj_body,
        grid=(B, T // TT),
        in_specs=[full, bias, full, bias, full, bias, xblk, xblk, xblk],
        out_specs=[xblk, xblk, xblk],
        out_shape=[jax.ShapeDtypeStruct((B, C, T), jnp.float32)] * 3,
        compiler_params=pltpu.CompilerParams(
            dimension_semantics=("arbitrary", "arbitrary")),
    )(Wq, bq.reshape(C, 1), Wk, bk.reshape(C, 1), Wv, bv.reshape(C, 1),
      query, key_in, value)


def _acfwd_body(q_ref, k_ref, cosm, sinm, pr_out, pi_out):
    hi = jax.lax.Precision.HIGHEST
    qb, kb = q_ref[...], k_ref[...]
    fqr = jnp.dot(qb, cosm[...], preferred_element_type=jnp.float32, precision=hi)
    fqs = jnp.dot(qb, sinm[...], preferred_element_type=jnp.float32, precision=hi)
    fkr = jnp.dot(kb, cosm[...], preferred_element_type=jnp.float32, precision=hi)
    fks = jnp.dot(kb, sinm[...], preferred_element_type=jnp.float32, precision=hi)
    pr_out[...] = fqr * fkr + fqs * fks
    pi_out[...] = fqr * fks - fqs * fkr


def _acfwd(q2d, k2d):
    rows = pl.BlockSpec((R, T), lambda r: (r, 0))
    fwd = pl.BlockSpec((T, FP), lambda r: (0, 0))
    pout = pl.BlockSpec((R, FP), lambda r: (r, 0))
    return pl.pallas_call(
        _acfwd_body,
        grid=(NROWS // R,),
        in_specs=[rows, rows, fwd, fwd],
        out_specs=[pout, pout],
        out_shape=[jax.ShapeDtypeStruct((NROWS, FP), jnp.float32)] * 2,
        compiler_params=pltpu.CompilerParams(
            vmem_limit_bytes=100 * 1024 * 1024),
    )(q2d, k2d, jnp.asarray(_COSM), jnp.asarray(_SINM))


def _acinv_body(pr_ref, pi_ref, icos, isin, offs_out, wsel_out):
    hi = jax.lax.Precision.HIGHEST
    H = T // 2
    pr, pi = pr_ref[...], pi_ref[...]
    acc = jnp.dot(pr, icos[...], preferred_element_type=jnp.float32, precision=hi)
    acs = jnp.dot(pi, isin[...], preferred_element_type=jnp.float32, precision=hi)
    col = lax.broadcasted_iota(jnp.int32, (RI, FP), 1)
    neg = jnp.float32(-jnp.inf)
    mL = jnp.where(col <= H, acc - acs, neg)
    mR = jnp.where((col >= 1) & (col <= H - 1), acc + acs, neg)
    vals, lags = [], []
    for _ in range(K):
        vL = jnp.max(mL, axis=-1, keepdims=True)
        lL = jnp.min(jnp.where(mL == vL, col, T), axis=-1, keepdims=True)
        vR = jnp.max(mR, axis=-1, keepdims=True)
        cR = jnp.max(jnp.where(mR == vR, col, -1), axis=-1, keepdims=True)
        lR = T - cR
        pickL = (vL > vR) | ((vL == vR) & (lL < lR))
        v1 = jnp.where(pickL, vL, vR)
        l1 = jnp.where(pickL, lL, lR)
        vals.append(v1)
        lags.append(l1)
        mL = jnp.where(pickL & (col == lL), neg, mL)
        mR = jnp.where((~pickL) & (col == cR), neg, mR)
    m = vals[0]
    z = (jnp.sum(jnp.exp(mL - m), axis=-1, keepdims=True)
         + jnp.sum(jnp.exp(mR - m), axis=-1, keepdims=True))
    zsel = sum(jnp.exp(v - m) for v in vals)
    z = z + zsel
    lag = jnp.concatenate(lags, axis=1)
    val = jnp.concatenate(vals, axis=1)
    offs_out[...] = T - lag
    wsel_out[...] = jnp.exp(val - m) / z


def _acsel(q2d, k2d):
    pr, pi = _acfwd(q2d, k2d)
    pin = pl.BlockSpec((RI, FP), lambda r: (r, 0))
    mat = pl.BlockSpec((FP, FP), lambda r: (0, 0))
    sel = pl.BlockSpec((RI, K), lambda r: (r, 0))
    return pl.pallas_call(
        _acinv_body,
        grid=(NROWS // RI,),
        in_specs=[pin, pin, mat, mat],
        out_specs=[sel, sel],
        out_shape=[jax.ShapeDtypeStruct((NROWS, K), jnp.int32),
                   jax.ShapeDtypeStruct((NROWS, K), jnp.float32)],
        compiler_params=pltpu.CompilerParams(
            vmem_limit_bytes=100 * 1024 * 1024),
    )(pr, pi, jnp.asarray(_ICOS), jnp.asarray(_ISIN))


_NC, _NS = 2, 16
_NW = _NC * _NS
_RPW = NROWS // _NW


def _gather_row(v_hbm, rid, row_v, slot, gsem):
    pltpu.async_copy(v_hbm.at[rid], row_v.at[slot, pl.ds(0, T)], gsem)
    pltpu.async_copy(v_hbm.at[rid], row_v.at[slot, pl.ds(T, T)], gsem)


def _wait_row(v_hbm, rid, row_v, slot, gsem):
    pltpu.make_async_copy(v_hbm.at[rid], row_v.at[slot, pl.ds(0, T)], gsem).wait()
    pltpu.make_async_copy(v_hbm.at[rid], row_v.at[slot, pl.ds(T, T)], gsem).wait()


def _roll_body(v_hbm, offs_hbm, out_hbm, offs_v, row_v, obuf_v, gsem, ssem):
    wid = lax.axis_index("s") * _NC + lax.axis_index("c")
    base = wid * _RPW
    pltpu.sync_copy(offs_hbm.at[:, pl.ds(base, _RPW)], offs_v)
    _gather_row(v_hbm, base, row_v, 0, gsem)

    def row_body(j, _):
        rid = base + j
        cur = j & 1
        @pl.when(j + 1 < _RPW)
        def _():
            _gather_row(v_hbm, rid + 1, row_v, 1 - cur, gsem)
        _wait_row(v_hbm, rid, row_v, cur, gsem)
        @pl.when(j >= 2)
        def _():
            pltpu.make_async_copy(out_hbm.at[:, 0], obuf_v.at[cur], ssem).wait()
        for i in range(K):
            chunk = offs_v[i, pl.ds((j >> 4) << 4, 16)]
            lane = j & 15
            sel = jnp.where(lax.iota(jnp.int32, 16) == lane, chunk, 0)
            off = lax.reduce_max(sel, (0,))

            def cp(j2, _):
                obuf_v[cur, i, pl.ds(j2 * 16, 16)] = row_v[cur, pl.ds(off + j2 * 16, 16)]
                return 0

            lax.fori_loop(0, T // 16, cp, 0, unroll=8)
            pltpu.async_copy(obuf_v.at[cur, i], out_hbm.at[i, rid], ssem)
        return 0

    lax.fori_loop(0, _RPW, row_body, 0)
    pltpu.make_async_copy(out_hbm.at[:, 0], obuf_v.at[0], ssem).wait()
    pltpu.make_async_copy(out_hbm.at[:, 0], obuf_v.at[1], ssem).wait()


@functools.partial(jax.jit, static_argnums=())
def _roll_sc(v_rows, offs_t):
    mesh = plsc.VectorSubcoreMesh(core_axis_name="c", subcore_axis_name="s")
    return pl.kernel(
        _roll_body,
        out_type=jax.ShapeDtypeStruct((K, NROWS, T), jnp.float32),
        mesh=mesh,
        compiler_params=pltpu.CompilerParams(use_tc_tiling_on_sc=False,
                                             needs_layout_passes=False),
        scratch_types=[
            pltpu.VMEM((K, _RPW), jnp.int32),
            pltpu.VMEM((2, TW), jnp.float32),
            pltpu.VMEM((2, K, T), jnp.float32),
            pltpu.SemaphoreType.DMA,
            pltpu.SemaphoreType.DMA,
        ],
    )(v_rows, offs_t)


def _final_body(wf, bf, wsel, rolled, out):
    ws = wsel[0]
    acc = bf[...]
    for i in range(K):
        wfi = wf[:, i * C:(i + 1) * C] * ws[:, i][None, :]
        acc = acc + jnp.dot(wfi, rolled[i, 0],
                            preferred_element_type=jnp.float32)
    out[0] = acc


def _final(Wf, bf, wsel, rolled):
    return pl.pallas_call(
        _final_body,
        grid=(B, T // TT),
        in_specs=[
            pl.BlockSpec((C, K * C), lambda b, t: (0, 0)),
            pl.BlockSpec((C, 1), lambda b, t: (0, 0)),
            pl.BlockSpec((1, C, K), lambda b, t: (b, 0, 0)),
            pl.BlockSpec((K, 1, C, TT), lambda b, t: (0, b, 0, t)),
        ],
        out_specs=pl.BlockSpec((1, C, TT), lambda b, t: (b, 0, t)),
        out_shape=jax.ShapeDtypeStruct((B, C, T), jnp.float32),
        compiler_params=pltpu.CompilerParams(
            dimension_semantics=("arbitrary", "arbitrary")),
    )(Wf, bf.reshape(C, 1), wsel, rolled)


def kernel(query, key_in, value, Wq, bq, Wk, bk, Wv, bv, Wf, bf):
    q, k, v = _proj(query, key_in, value, Wq, bq, Wk, bk, Wv, bv)
    offs, wsel = _acsel(q.reshape(NROWS, T), k.reshape(NROWS, T))
    rolled = _roll_sc(v.reshape(NROWS, T), offs.T)
    return _final(Wf, bf, wsel.reshape(B, C, K),
                  rolled.reshape(K, B, C, T))

# --- scband reference (transcript-rebuilt; emitter-appended) ---
"""Pipeline reference for scband-auto-correlation-45561013076193 (READ-ONLY COPY).

The authoritative reference and input builder live on the scoring server;
editing this copy changes nothing except your own understanding.
"""

import jax, jax.numpy as jnp
import numpy as np

B, C, T = 4, 768, 2048
TOP_K = 3

def setup_inputs(seed: int = 0) -> dict:
    key = jax.random.key(seed)
    ks = [jax.random.fold_in(key, i) for i in range(12)]
    d = C
    return {
        "query": jax.random.normal(ks[0], (B, C, T), dtype=jnp.float32),
        "key_in": jax.random.normal(ks[1], (B, C, T), dtype=jnp.float32),
        "value": jax.random.normal(ks[2], (B, C, T), dtype=jnp.float32),
        "Wq": jax.random.normal(ks[3], (d, d), dtype=jnp.float32) * 0.02,
        "bq": jnp.zeros((d,), dtype=jnp.float32),
        "Wk": jax.random.normal(ks[4], (d, d), dtype=jnp.float32) * 0.02,
        "bk": jnp.zeros((d,), dtype=jnp.float32),
        "Wv": jax.random.normal(ks[5], (d, d), dtype=jnp.float32) * 0.02,
        "bv": jnp.zeros((d,), dtype=jnp.float32),
        "Wf": jax.random.normal(ks[6], (d, d * TOP_K), dtype=jnp.float32) * 0.02,
        "bf": jnp.zeros((d,), dtype=jnp.float32),
    }

def reference(query, key_in, value, Wq, bq, Wk, bk, Wv, bv, Wf, bf):
    Bq, Cq, Tq = query.shape
    # Linear projections applied on (B, T, C) then permuted back to (B, C, T)
    q = (jnp.einsum('btc,dc->btd', query.transpose(0, 2, 1), Wq) + bq).transpose(0, 2, 1)
    k = (jnp.einsum('btc,dc->btd', key_in.transpose(0, 2, 1), Wk) + bk).transpose(0, 2, 1)
    v = (jnp.einsum('btc,dc->btd', value.transpose(0, 2, 1), Wv) + bv).transpose(0, 2, 1)
    fft_q = jnp.fft.rfft(q, axis=-1)
    fft_k = jnp.fft.rfft(k, axis=-1)
    auto_corr = jnp.fft.irfft(fft_q * jnp.conj(fft_k), n=Tq, axis=-1) / Tq
    top_k = min(TOP_K, Tq // 2)
    _, lags = jax.lax.top_k(auto_corr, top_k)  # (B, C, top_k) int32
    weights = jax.nn.softmax(auto_corr, axis=-1)
    idx = jnp.arange(Tq)
    outputs = []
    for i in range(top_k):
        shift = lags[..., i]  # (B, C)
        # torch.roll(x, s): out[t] = x[(t - s) % T]
        gather_idx = (idx[None, None, :] - shift[:, :, None]) % Tq
        rolled = jnp.take_along_axis(v, gather_idx, axis=-1)
        weight = jnp.take_along_axis(weights, shift[..., None], axis=-1)  # (B, C, 1)
        outputs.append(rolled * weight)
    agg = jnp.concatenate(outputs, axis=1)  # (B, C*top_k, T)
    agg = (jnp.einsum('btc,dc->btd', agg.transpose(0, 2, 1), Wf) + bf).transpose(0, 2, 1)
    return agg

if __name__ == "__main__":
    import jax
    _d = setup_inputs()
    print(jax.jit(kernel)(*tuple(_d.values())))

</pallas_src>

<mosaic_0001>
#map = affine_map<(d0, d1) -> (0, 0)>
#map1 = affine_map<(d0, d1) -> (0, 0, 0)>
module attributes {stable_mosaic.version = 14 : i64} {
  func.func @_roll_body(%arg0: i32, %arg1: i32, %arg2: memref<3072x2048xf32, #tpu.memory_space<hbm>>, %arg3: memref<3x3072xi32, #tpu.memory_space<hbm>>, %arg4: memref<3x3072x2048xf32, #tpu.memory_space<hbm>>, %arg5: memref<3x96xi32, #tpu.memory_space<vmem>>, %arg6: memref<2x4096xf32, #tpu.memory_space<vmem>>, %arg7: memref<2x3x2048xf32, #tpu.memory_space<vmem>>, %arg8: memref<!tpu.dma_semaphore, #tpu.memory_space<semaphore_mem>>, %arg9: memref<!tpu.dma_semaphore, #tpu.memory_space<semaphore_mem>>) attributes {dimension_semantics = [#tpu.dimension_semantics<core_parallel>, #tpu.dimension_semantics<subcore_parallel>], iteration_bounds = array<i64: 2, 16>, scalar_prefetch = 0 : i64, scratch_operands = 5 : i64, tpu.core_type = #tpu.core_type<sc_vector_subcore>, window_params = [{transform_indices = #map}, {transform_indices = #map}, {transform_indices = #map1}]} {
    %mul3A = arith.constant 2 : i32
    %mul3A_0 = arith.muli %arg1, %mul3A : i32
    %add3A = arith.addi %mul3A_0, %arg0 : i32
    %mul3A_1 = arith.constant 96 : i32
    %mul3A_2 = arith.muli %add3A, %mul3A_1 : i32
    "tpu.region"() ({
      %run_scoped3A = tpu.sem_alloc : memref<!tpu.dma_semaphore, #tpu.memory_space<semaphore_mem>>
      %dma_start3A_69 = arith.constant 0 : i32
      %dma_start3A_70 = tpu.memref_slice %arg3[%dma_start3A_69, %mul3A_2] : memref<3x3072xi32, #tpu.memory_space<hbm>> -> memref<3x96xi32, #tpu.memory_space<hbm>>
      %dma_start3A_71 = arith.constant 0 : i32
      %dma_start3A_72 = tpu.memref_slice %arg3[%dma_start3A_71, %mul3A_2] : memref<3x3072xi32, #tpu.memory_space<hbm>> -> memref<3x96xi32, #tpu.memory_space<hbm>>
      tpu.enqueue_dma source(%dma_start3A_72 : memref<3x96xi32, #tpu.memory_space<hbm>>) target(%arg5 : memref<3x96xi32, #tpu.memory_space<vmem>>) target_semaphore(%run_scoped3A : memref<!tpu.dma_semaphore, #tpu.memory_space<semaphore_mem>>)
      %dma_wait3A_73 = arith.constant 0 : i32
      %dma_wait3A_74 = tpu.memref_slice %arg3[%dma_wait3A_73, %mul3A_2] : memref<3x3072xi32, #tpu.memory_space<hbm>> -> memref<3x96xi32, #tpu.memory_space<hbm>>
      %dma_wait3A_75 = arith.constant 0 : i32
      %dma_wait3A_76 = tpu.memref_slice %arg3[%dma_wait3A_75, %mul3A_2] : memref<3x3072xi32, #tpu.memory_space<hbm>> -> memref<3x96xi32, #tpu.memory_space<hbm>>
      tpu.wait_dma2 semaphore(%run_scoped3A : memref<!tpu.dma_semaphore, #tpu.memory_space<semaphore_mem>>) src(%dma_wait3A_76 : memref<3x96xi32, #tpu.memory_space<hbm>>) dst(%arg5 : memref<3x96xi32, #tpu.memory_space<vmem>>)
      tpu.yield
    }) : () -> ()
    %dma_start3A = arith.constant 0 : i32
    %dma_start3A_3 = arith.constant 0 : i32
    %dma_start3A_4 = tpu.memref_slice %arg6[%dma_start3A, %dma_start3A_3] : memref<2x4096xf32, #tpu.memory_space<vmem>> -> memref<1x2048xf32, #tpu.memory_space<vmem>>
    %dma_start3A_5 = tpu.memref_squeeze %dma_start3A_4 : memref<1x2048xf32, #tpu.memory_space<vmem>> -> memref<2048xf32, #tpu.memory_space<vmem>>
    %dma_start3A_6 = arith.constant 0 : i32
    %dma_start3A_7 = tpu.memref_slice %arg2[%mul3A_2, %dma_start3A_6] : memref<3072x2048xf32, #tpu.memory_space<hbm>> -> memref<1x2048xf32, #tpu.memory_space<hbm>>
    %dma_start3A_8 = tpu.memref_squeeze %dma_start3A_7 : memref<1x2048xf32, #tpu.memory_space<hbm>> -> memref<2048xf32, #tpu.memory_space<hbm>>
    %dma_start3A_9 = arith.constant 0 : i32
    %dma_start3A_10 = tpu.memref_slice %arg6[%dma_start3A, %dma_start3A_9] : memref<2x4096xf32, #tpu.memory_space<vmem>> -> memref<1x2048xf32, #tpu.memory_space<vmem>>
    %dma_start3A_11 = tpu.memref_squeeze %dma_start3A_10 : memref<1x2048xf32, #tpu.memory_space<vmem>> -> memref<2048xf32, #tpu.memory_space<vmem>>
    %dma_start3A_12 = arith.constant 0 : i32
    %dma_start3A_13 = tpu.memref_slice %arg2[%mul3A_2, %dma_start3A_12] : memref<3072x2048xf32, #tpu.memory_space<hbm>> -> memref<1x2048xf32, #tpu.memory_space<hbm>>
    %dma_start3A_14 = tpu.memref_squeeze %dma_start3A_13 : memref<1x2048xf32, #tpu.memory_space<hbm>> -> memref<2048xf32, #tpu.memory_space<hbm>>
    tpu.enqueue_dma source(%dma_start3A_14 : memref<2048xf32, #tpu.memory_space<hbm>>) target(%dma_start3A_11 : memref<2048xf32, #tpu.memory_space<vmem>>) target_semaphore(%arg8 : memref<!tpu.dma_semaphore, #tpu.memory_space<semaphore_mem>>)
    %dma_start3A_15 = arith.constant 0 : i32
    %dma_start3A_16 = arith.constant 2048 : i32
    %dma_start3A_17 = tpu.memref_slice %arg6[%dma_start3A_15, %dma_start3A_16] : memref<2x4096xf32, #tpu.memory_space<vmem>> -> memref<1x2048xf32, #tpu.memory_space<vmem>>
    %dma_start3A_18 = tpu.memref_squeeze %dma_start3A_17 : memref<1x2048xf32, #tpu.memory_space<vmem>> -> memref<2048xf32, #tpu.memory_space<vmem>>
    %dma_start3A_19 = arith.constant 0 : i32
    %dma_start3A_20 = tpu.memref_slice %arg2[%mul3A_2, %dma_start3A_19] : memref<3072x2048xf32, #tpu.memory_space<hbm>> -> memref<1x2048xf32, #tpu.memory_space<hbm>>
    %dma_start3A_21 = tpu.memref_squeeze %dma_start3A_20 : memref<1x2048xf32, #tpu.memory_space<hbm>> -> memref<2048xf32, #tpu.memory_space<hbm>>
    %dma_start3A_22 = arith.constant 2048 : i32
    %dma_start3A_23 = tpu.memref_slice %arg6[%dma_start3A_15, %dma_start3A_22] : memref<2x4096xf32, #tpu.memory_space<vmem>> -> memref<1x2048xf32, #tpu.memory_space<vmem>>
    %dma_start3A_24 = tpu.memref_squeeze %dma_start3A_23 : memref<1x2048xf32, #tpu.memory_space<vmem>> -> memref<2048xf32, #tpu.memory_space<vmem>>
    %dma_start3A_25 = arith.constant 0 : i32
    %dma_start3A_26 = tpu.memref_slice %arg2[%mul3A_2, %dma_start3A_25] : memref<3072x2048xf32, #tpu.memory_space<hbm>> -> memref<1x2048xf32, #tpu.memory_space<hbm>>
    %dma_start3A_27 = tpu.memref_squeeze %dma_start3A_26 : memref<1x2048xf32, #tpu.memory_space<hbm>> -> memref<2048xf32, #tpu.memory_space<hbm>>
    tpu.enqueue_dma source(%dma_start3A_27 : memref<2048xf32, #tpu.memory_space<hbm>>) target(%dma_start3A_24 : memref<2048xf32, #tpu.memory_space<vmem>>) target_semaphore(%arg8 : memref<!tpu.dma_semaphore, #tpu.memory_space<semaphore_mem>>)
    %scan3A = arith.constant 0 : i32
    %scan3A_28 = arith.constant 0 : i32
    %scan3A_29 = arith.constant 96 : i32
    %scan3A_30 = arith.addi %scan3A_28, %scan3A_29 : i32
    %scan3A_31 = arith.constant 1 : i32
    %scan3A_32 = scf.for %scan3A_69 = %scan3A_28 to %scan3A_30 step %scan3A_31 iter_args(%scan3A_70 = %scan3A) -> (i32)  : i32 {
      %add3A_71 = arith.addi %mul3A_2, %scan3A_69 : i32
      %and3A = arith.constant 1 : i32
      %and3A_72 = arith.andi %scan3A_69, %and3A : i32
      %add3A_73 = arith.constant 1 : i32
      %add3A_74 = arith.addi %scan3A_69, %add3A_73 : i32
      %lt3A = arith.constant 96 : i32
      %lt3A_75 = arith.cmpi slt, %add3A_74, %lt3A : i32
      %convert_element_type3A = arith.extui %lt3A_75 : i1 to i32
      %cond3A = arith.constant 0 : i32
      %cond3A_76 = arith.cmpi ne, %convert_element_type3A, %cond3A : i32
      scf.if %cond3A_76 {
        %add3A_232 = arith.constant 1 : i32
        %add3A_233 = arith.addi %add3A_71, %add3A_232 : i32
        %sub3A = arith.constant 1 : i32
        %sub3A_234 = arith.subi %sub3A, %and3A_72 : i32
        %dma_start3A_235 = arith.constant 0 : i32
        %dma_start3A_236 = tpu.memref_slice %arg6[%sub3A_234, %dma_start3A_235] : memref<2x4096xf32, #tpu.memory_space<vmem>> -> memref<1x2048xf32, #tpu.memory_space<vmem>>
        %dma_start3A_237 = tpu.memref_squeeze %dma_start3A_236 : memref<1x2048xf32, #tpu.memory_space<vmem>> -> memref<2048xf32, #tpu.memory_space<vmem>>
        %dma_start3A_238 = arith.constant 0 : i32
        %dma_start3A_239 = tpu.memref_slice %arg2[%add3A_233, %dma_start3A_238] : memref<3072x2048xf32, #tpu.memory_space<hbm>> -> memref<1x2048xf32, #tpu.memory_space<hbm>>
        %dma_start3A_240 = tpu.memref_squeeze %dma_start3A_239 : memref<1x2048xf32, #tpu.memory_space<hbm>> -> memref<2048xf32, #tpu.memory_space<hbm>>
        %dma_start3A_241 = arith.constant 0 : i32
        %dma_start3A_242 = tpu.memref_slice %arg6[%sub3A_234, %dma_start3A_241] : memref<2x4096xf32, #tpu.memory_space<vmem>> -> memref<1x2048xf32, #tpu.memory_space<vmem>>
        %dma_start3A_243 = tpu.memref_squeeze %dma_start3A_242 : memref<1x2048xf32, #tpu.memory_space<vmem>> -> memref<2048xf32, #tpu.memory_space<vmem>>
        %dma_start3A_244 = arith.constant 0 : i32
        %dma_start3A_245 = tpu.memref_slice %arg2[%add3A_233, %dma_start3A_244] : memref<3072x2048xf32, #tpu.memory_space<hbm>> -> memref<1x2048xf32, #tpu.memory_space<hbm>>
        %dma_start3A_246 = tpu.memref_squeeze %dma_start3A_245 : memref<1x2048xf32, #tpu.memory_space<hbm>> -> memref<2048xf32, #tpu.memory_space<hbm>>
        tpu.enqueue_dma source(%dma_start3A_246 : memref<2048xf32, #tpu.memory_space<hbm>>) target(%dma_start3A_243 : memref<2048xf32, #tpu.memory_space<vmem>>) target_semaphore(%arg8 : memref<!tpu.dma_semaphore, #tpu.memory_space<semaphore_mem>>)
        %dma_start3A_247 = arith.constant 2048 : i32
        %dma_start3A_248 = tpu.memref_slice %arg6[%sub3A_234, %dma_start3A_247] : memref<2x4096xf32, #tpu.memory_space<vmem>> -> memref<1x2048xf32, #tpu.memory_space<vmem>>
        %dma_start3A_249 = tpu.memref_squeeze %dma_start3A_248 : memref<1x2048xf32, #tpu.memory_space<vmem>> -> memref<2048xf32, #tpu.memory_space<vmem>>
        %dma_start3A_250 = arith.constant 0 : i32
        %dma_start3A_251 = tpu.memref_slice %arg2[%add3A_233, %dma_start3A_250] : memref<3072x2048xf32, #tpu.memory_space<hbm>> -> memref<1x2048xf32, #tpu.memory_space<hbm>>
        %dma_start3A_252 = tpu.memref_squeeze %dma_start3A_251 : memref<1x2048xf32, #tpu.memory_space<hbm>> -> memref<2048xf32, #tpu.memory_space<hbm>>
        %dma_start3A_253 = arith.constant 2048 : i32
        %dma_start3A_254 = tpu.memref_slice %arg6[%sub3A_234, %dma_start3A_253] : memref<2x4096xf32, #tpu.memory_space<vmem>> -> memref<1x2048xf32, #tpu.memory_space<vmem>>
        %dma_start3A_255 = tpu.memref_squeeze %dma_start3A_254 : memref<1x2048xf32, #tpu.memory_space<vmem>> -> memref<2048xf32, #tpu.memory_space<vmem>>
        %dma_start3A_256 = arith.constant 0 : i32
        %dma_start3A_257 = tpu.memref_slice %arg2[%add3A_233, %dma_start3A_256] : memref<3072x2048xf32, #tpu.memory_space<hbm>> -> memref<1x2048xf32, #tpu.memory_space<hbm>>
        %dma_start3A_258 = tpu.memref_squeeze %dma_start3A_257 : memref<1x2048xf32, #tpu.memory_space<hbm>> -> memref<2048xf32, #tpu.memory_space<hbm>>
        tpu.enqueue_dma source(%dma_start3A_258 : memref<2048xf32, #tpu.memory_space<hbm>>) target(%dma_start3A_255 : memref<2048xf32, #tpu.memory_space<vmem>>) target_semaphore(%arg8 : memref<!tpu.dma_semaphore, #tpu.memory_space<semaphore_mem>>)
      } else {
      }
      %dma_wait3A_77 = arith.constant 0 : i32
      %dma_wait3A_78 = tpu.memref_slice %arg6[%and3A_72, %dma_wait3A_77] : memref<2x4096xf32, #tpu.memory_space<vmem>> -> memref<1x2048xf32, #tpu.memory_space<vmem>>
      %dma_wait3A_79 = tpu.memref_squeeze %dma_wait3A_78 : memref<1x2048xf32, #tpu.memory_space<vmem>> -> memref<2048xf32, #tpu.memory_space<vmem>>
      %dma_wait3A_80 = arith.constant 0 : i32
      %dma_wait3A_81 = tpu.memref_slice %arg2[%add3A_71, %dma_wait3A_80] : memref<3072x2048xf32, #tpu.memory_space<hbm>> -> memref<1x2048xf32, #tpu.memory_space<hbm>>
      %dma_wait3A_82 = tpu.memref_squeeze %dma_wait3A_81 : memref<1x2048xf32, #tpu.memory_space<hbm>> -> memref<2048xf32, #tpu.memory_space<hbm>>
      %dma_wait3A_83 = arith.constant 0 : i32
      %dma_wait3A_84 = tpu.memref_slice %arg6[%and3A_72, %dma_wait3A_83] : memref<2x4096xf32, #tpu.memory_space<vmem>> -> memref<1x2048xf32, #tpu.memory_space<vmem>>
      %dma_wait3A_85 = tpu.memref_squeeze %dma_wait3A_84 : memref<1x2048xf32, #tpu.memory_space<vmem>> -> memref<2048xf32, #tpu.memory_space<vmem>>
      %dma_wait3A_86 = arith.constant 0 : i32
      %dma_wait3A_87 = tpu.memref_slice %arg2[%add3A_71, %dma_wait3A_86] : memref<3072x2048xf32, #tpu.memory_space<hbm>> -> memref<1x2048xf32, #tpu.memory_space<hbm>>
      %dma_wait3A_88 = tpu.memref_squeeze %dma_wait3A_87 : memref<1x2048xf32, #tpu.memory_space<hbm>> -> memref<2048xf32, #tpu.memory_space<hbm>>
      tpu.wait_dma2 semaphore(%arg8 : memref<!tpu.dma_semaphore, #tpu.memory_space<semaphore_mem>>) src(%dma_wait3A_88 : memref<2048xf32, #tpu.memory_space<hbm>>) dst(%dma_wait3A_85 : memref<2048xf32, #tpu.memory_space<vmem>>)
      %dma_wait3A_89 = arith.constant 2048 : i32
      %dma_wait3A_90 = tpu.memref_slice %arg6[%and3A_72, %dma_wait3A_89] : memref<2x4096xf32, #tpu.memory_space<vmem>> -> memref<1x2048xf32, #tpu.memory_space<vmem>>
      %dma_wait3A_91 = tpu.memref_squeeze %dma_wait3A_90 : memref<1x2048xf32, #tpu.memory_space<vmem>> -> memref<2048xf32, #tpu.memory_space<vmem>>
      %dma_wait3A_92 = arith.constant 0 : i32
      %dma_wait3A_93 = tpu.memref_slice %arg2[%add3A_71, %dma_wait3A_92] : memref<3072x2048xf32, #tpu.memory_space<hbm>> -> memref<1x2048xf32, #tpu.memory_space<hbm>>
      %dma_wait3A_94 = tpu.memref_squeeze %dma_wait3A_93 : memref<1x2048xf32, #tpu.memory_space<hbm>> -> memref<2048xf32, #tpu.memory_space<hbm>>
      %dma_wait3A_95 = arith.constant 2048 : i32
      %dma_wait3A_96 = tpu.memref_slice %arg6[%and3A_72, %dma_wait3A_95] : memref<2x4096xf32, #tpu.memory_space<vmem>> -> memref<1x2048xf32, #tpu.memory_space<vmem>>
      %dma_wait3A_97 = tpu.memref_squeeze %dma_wait3A_96 : memref<1x2048xf32, #tpu.memory_space<vmem>> -> memref<2048xf32, #tpu.memory_space<vmem>>
      %dma_wait3A_98 = arith.constant 0 : i32
      %dma_wait3A_99 = tpu.memref_slice %arg2[%add3A_71, %dma_wait3A_98] : memref<3072x2048xf32, #tpu.memory_space<hbm>> -> memref<1x2048xf32, #tpu.memory_space<hbm>>
      %dma_wait3A_100 = tpu.memref_squeeze %dma_wait3A_99 : memref<1x2048xf32, #tpu.memory_space<hbm>> -> memref<2048xf32, #tpu.memory_space<hbm>>
      tpu.wait_dma2 semaphore(%arg8 : memref<!tpu.dma_semaphore, #tpu.memory_space<semaphore_mem>>) src(%dma_wait3A_100 : memref<2048xf32, #tpu.memory_space<hbm>>) dst(%dma_wait3A_97 : memref<2048xf32, #tpu.memory_space<vmem>>)
      %ge3A = arith.constant 2 : i32
      %ge3A_101 = arith.cmpi sge, %scan3A_69, %ge3A : i32
      %convert_element_type3A_102 = arith.extui %ge3A_101 : i1 to i32
      %cond3A_103 = arith.constant 0 : i32
      %cond3A_104 = arith.cmpi ne, %convert_element_type3A_102, %cond3A_103 : i32
      scf.if %cond3A_104 {
        %dma_wait3A_232 = arith.constant 0 : i32
        %dma_wait3A_233 = arith.constant 0 : i32
        %dma_wait3A_234 = arith.constant 0 : i32
        %dma_wait3A_235 = tpu.memref_slice %arg7[%and3A_72, %dma_wait3A_233, %dma_wait3A_234] : memref<2x3x2048xf32, #tpu.memory_space<vmem>> -> memref<1x3x2048xf32, #tpu.memory_space<vmem>>
        %dma_wait3A_236 = tpu.memref_squeeze %dma_wait3A_235 : memref<1x3x2048xf32, #tpu.memory_space<vmem>> -> memref<3x2048xf32, #tpu.memory_space<vmem>>
        %dma_wait3A_237 = arith.constant 0 : i32
        %dma_wait3A_238 = arith.constant 0 : i32
        %dma_wait3A_239 = tpu.memref_slice %arg4[%dma_wait3A_237, %dma_wait3A_232, %dma_wait3A_238] : memref<3x3072x2048xf32, #tpu.memory_space<hbm>> -> memref<3x1x2048xf32, #tpu.memory_space<hbm>>
        %dma_wait3A_240 = tpu.memref_squeeze %dma_wait3A_239 : memref<3x1x2048xf32, #tpu.memory_space<hbm>> -> memref<3x2048xf32, #tpu.memory_space<hbm>>
        %dma_wait3A_241 = arith.constant 0 : i32
        %dma_wait3A_242 = arith.constant 0 : i32
        %dma_wait3A_243 = tpu.memref_slice %arg7[%and3A_72, %dma_wait3A_241, %dma_wait3A_242] : memref<2x3x2048xf32, #tpu.memory_space<vmem>> -> memref<1x3x2048xf32, #tpu.memory_space<vmem>>
        %dma_wait3A_244 = tpu.memref_squeeze %dma_wait3A_243 : memref<1x3x2048xf32, #tpu.memory_space<vmem>> -> memref<3x2048xf32, #tpu.memory_space<vmem>>
        %dma_wait3A_245 = arith.constant 0 : i32
        %dma_wait3A_246 = arith.constant 0 : i32
        %dma_wait3A_247 = tpu.memref_slice %arg4[%dma_wait3A_245, %dma_wait3A_232, %dma_wait3A_246] : memref<3x3072x2048xf32, #tpu.memory_space<hbm>> -> memref<3x1x2048xf32, #tpu.memory_space<hbm>>
        %dma_wait3A_248 = tpu.memref_squeeze %dma_wait3A_247 : memref<3x1x2048xf32, #tpu.memory_space<hbm>> -> memref<3x2048xf32, #tpu.memory_space<hbm>>
        tpu.wait_dma2 semaphore(%arg9 : memref<!tpu.dma_semaphore, #tpu.memory_space<semaphore_mem>>) src(%dma_wait3A_248 : memref<3x2048xf32, #tpu.memory_space<hbm>>) dst(%dma_wait3A_244 : memref<3x2048xf32, #tpu.memory_space<vmem>>)
      } else {
      }
      %shift_right_arithmetic3A = arith.constant 4 : i32
      %shift_right_arithmetic3A_105 = arith.shrsi %scan3A_69, %shift_right_arithmetic3A : i32
      %shift_left3A = arith.constant 4 : i32
      %shift_left3A_106 = arith.shli %shift_right_arithmetic3A_105, %shift_left3A : i32
      %get3A = arith.constant 0 : i32
      %get3A_107 = arith.index_cast %get3A : i32 to index
      %get3A_108 = arith.index_cast %shift_left3A_106 : i32 to index
      %get3A_109 = tpu.vector_load %arg5[%get3A_107, %get3A_108] {strides = array<i32>} : memref<3x96xi32, #tpu.memory_space<vmem>>, vector<16xi32>,
      %and3A_110 = arith.constant 15 : i32
      %and3A_111 = arith.andi %scan3A_69, %and3A_110 : i32
      %iota3A = tpu.iota {dimensions = array<i32: 0>} : vector<16xi32>
      %eq3A = vector.broadcast %and3A_111 : i32 to vector<16xi32>
      %eq3A_112 = arith.cmpi eq, %iota3A, %eq3A : vector<16xi32>
      %jit3A = arith.constant 0 : i32
      %broadcast_in_dim3A = vector.broadcast %jit3A : i32 to vector<16xi32>
      %select_n3A = arith.select %eq3A_112, %get3A_109, %broadcast_in_dim3A : vector<16xi1>, vector<16xi32>
      %reduce_max3A = arith.constant true
      %reduce_max3A_113 = vector.broadcast %reduce_max3A : i1 to vector<16xi1>
      %reduce_max3A_114 = arith.constant -2147483648 : i32
      %reduce_max3A_115 = vector.broadcast %reduce_max3A_114 : i32 to vector<16xi32>
      %reduce_max3A_116 = arith.xori %select_n3A, %reduce_max3A_115 : vector<16xi32>
      %reduce_max3A_117 = tpu.scan <max>, %reduce_max3A_116 masked %reduce_max3A_113 : vector<16xi32>, vector<16xi1> -> vector<16xi32>
      %reduce_max3A_118 = arith.xori %reduce_max3A_117, %reduce_max3A_115 : vector<16xi32>
      %reduce_max3A_119 = vector.extract %reduce_max3A_118[15] : i32 from vector<16xi32>
      %scan3A_120 = arith.constant 0 : i32
      %scan3A_121 = arith.constant 0 : i32
      %scan3A_122 = arith.constant 128 : i32
      %scan3A_123 = arith.addi %scan3A_121, %scan3A_122 : i32
      %scan3A_124 = arith.constant 8 : i32
      %scan3A_125 = scf.for %scan3A_232 = %scan3A_121 to %scan3A_123 step %scan3A_124 iter_args(%scan3A_233 = %scan3A_120) -> (i32)  : i32 {
        %mul3A_234 = arith.constant 16 : i32
        %mul3A_235 = arith.muli %scan3A_232, %mul3A_234 : i32
        %add3A_236 = arith.addi %reduce_max3A_119, %mul3A_235 : i32
        %get3A_237 = arith.index_cast %and3A_72 : i32 to index
        %get3A_238 = arith.index_cast %add3A_236 : i32 to index
        %get3A_239 = tpu.vector_load %arg6[%get3A_237, %get3A_238] {strides = array<i32>} : memref<2x4096xf32, #tpu.memory_space<vmem>>, vector<16xf32>,
        %mul3A_240 = arith.constant 16 : i32
        %mul3A_241 = arith.muli %scan3A_232, %mul3A_240 : i32
        %swap3A = arith.constant 0 : i32
        %swap3A_242 = arith.index_cast %and3A_72 : i32 to index
        %swap3A_243 = arith.index_cast %swap3A : i32 to index
        %swap3A_244 = arith.index_cast %mul3A_241 : i32 to index
        %swap3A_245 = tpu.vector_load %arg7[%swap3A_242, %swap3A_243, %swap3A_244] {strides = array<i32>} : memref<2x3x2048xf32, #tpu.memory_space<vmem>>, vector<16xf32>,
        tpu.vector_store %arg7[%swap3A_242, %swap3A_243, %swap3A_244], %get3A_239 {strides = array<i32>} : memref<2x3x2048xf32, #tpu.memory_space<vmem>>, vector<16xf32>,
        %scan3A_246 = arith.constant 0 : i32
        %scan3A_247 = arith.constant 1 : i32
        %scan3A_248 = arith.addi %scan3A_232, %scan3A_247 : i32
        %mul3A_249 = arith.constant 16 : i32
        %mul3A_250 = arith.muli %scan3A_248, %mul3A_249 : i32
        %add3A_251 = arith.addi %reduce_max3A_119, %mul3A_250 : i32
        %get3A_252 = arith.index_cast %and3A_72 : i32 to index
        %get3A_253 = arith.index_cast %add3A_251 : i32 to index
        %get3A_254 = tpu.vector_load %arg6[%get3A_252, %get3A_253] {strides = array<i32>} : memref<2x4096xf32, #tpu.memory_space<vmem>>, vector<16xf32>,
        %mul3A_255 = arith.constant 16 : i32
        %mul3A_256 = arith.muli %scan3A_248, %mul3A_255 : i32
        %swap3A_257 = arith.constant 0 : i32
        %swap3A_258 = arith.index_cast %and3A_72 : i32 to index
        %swap3A_259 = arith.index_cast %swap3A_257 : i32 to index
        %swap3A_260 = arith.index_cast %mul3A_256 : i32 to index
        %swap3A_261 = tpu.vector_load %arg7[%swap3A_258, %swap3A_259, %swap3A_260] {strides = array<i32>} : memref<2x3x2048xf32, #tpu.memory_space<vmem>>, vector<16xf32>,
        tpu.vector_store %arg7[%swap3A_258, %swap3A_259, %swap3A_260], %get3A_254 {strides = array<i32>} : memref<2x3x2048xf32, #tpu.memory_space<vmem>>, vector<16xf32>,
        %scan3A_262 = arith.constant 0 : i32
        %scan3A_263 = arith.constant 2 : i32
        %scan3A_264 = arith.addi %scan3A_232, %scan3A_263 : i32
        %mul3A_265 = arith.constant 16 : i32
        %mul3A_266 = arith.muli %scan3A_264, %mul3A_265 : i32
        %add3A_267 = arith.addi %reduce_max3A_119, %mul3A_266 : i32
        %get3A_268 = arith.index_cast %and3A_72 : i32 to index
        %get3A_269 = arith.index_cast %add3A_267 : i32 to index
        %get3A_270 = tpu.vector_load %arg6[%get3A_268, %get3A_269] {strides = array<i32>} : memref<2x4096xf32, #tpu.memory_space<vmem>>, vector<16xf32>,
        %mul3A_271 = arith.constant 16 : i32
        %mul3A_272 = arith.muli %scan3A_264, %mul3A_271 : i32
        %swap3A_273 = arith.constant 0 : i32
        %swap3A_274 = arith.index_cast %and3A_72 : i32 to index
        %swap3A_275 = arith.index_cast %swap3A_273 : i32 to index
        %swap3A_276 = arith.index_cast %mul3A_272 : i32 to index
        %swap3A_277 = tpu.vector_load %arg7[%swap3A_274, %swap3A_275, %swap3A_276] {strides = array<i32>} : memref<2x3x2048xf32, #tpu.memory_space<vmem>>, vector<16xf32>,
        tpu.vector_store %arg7[%swap3A_274, %swap3A_275, %swap3A_276], %get3A_270 {strides = array<i32>} : memref<2x3x2048xf32, #tpu.memory_space<vmem>>, vector<16xf32>,
        %scan3A_278 = arith.constant 0 : i32
        %scan3A_279 = arith.constant 3 : i32
        %scan3A_280 = arith.addi %scan3A_232, %scan3A_279 : i32
        %mul3A_281 = arith.constant 16 : i32
        %mul3A_282 = arith.muli %scan3A_280, %mul3A_281 : i32
        %add3A_283 = arith.addi %reduce_max3A_119, %mul3A_282 : i32
        %get3A_284 = arith.index_cast %and3A_72 : i32 to index
        %get3A_285 = arith.index_cast %add3A_283 : i32 to index
        %get3A_286 = tpu.vector_load %arg6[%get3A_284, %get3A_285] {strides = array<i32>} : memref<2x4096xf32, #tpu.memory_space<vmem>>, vector<16xf32>,
        %mul3A_287 = arith.constant 16 : i32
        %mul3A_288 = arith.muli %scan3A_280, %mul3A_287 : i32
        %swap3A_289 = arith.constant 0 : i32
        %swap3A_290 = arith.index_cast %and3A_72 : i32 to index
        %swap3A_291 = arith.index_cast %swap3A_289 : i32 to index
        %swap3A_292 = arith.index_cast %mul3A_288 : i32 to index
        %swap3A_293 = tpu.vector_load %arg7[%swap3A_290, %swap3A_291, %swap3A_292] {strides = array<i32>} : memref<2x3x2048xf32, #tpu.memory_space<vmem>>, vector<16xf32>,
        tpu.vector_store %arg7[%swap3A_290, %swap3A_291, %swap3A_292], %get3A_286 {strides = array<i32>} : memref<2x3x2048xf32, #tpu.memory_space<vmem>>, vector<16xf32>,
        %scan3A_294 = arith.constant 0 : i32
        %scan3A_295 = arith.constant 4 : i32
        %scan3A_296 = arith.addi %scan3A_232, %scan3A_295 : i32
        %mul3A_297 = arith.constant 16 : i32
        %mul3A_298 = arith.muli %scan3A_296, %mul3A_297 : i32
        %add3A_299 = arith.addi %reduce_max3A_119, %mul3A_298 : i32
        %get3A_300 = arith.index_cast %and3A_72 : i32 to index
        %get3A_301 = arith.index_cast %add3A_299 : i32 to index
        %get3A_302 = tpu.vector_load %arg6[%get3A_300, %get3A_301] {strides = array<i32>} : memref<2x4096xf32, #tpu.memory_space<vmem>>, vector<16xf32>,
        %mul3A_303 = arith.constant 16 : i32
        %mul3A_304 = arith.muli %scan3A_296, %mul3A_303 : i32
        %swap3A_305 = arith.constant 0 : i32
        %swap3A_306 = arith.index_cast %and3A_72 : i32 to index
        %swap3A_307 = arith.index_cast %swap3A_305 : i32 to index
        %swap3A_308 = arith.index_cast %mul3A_304 : i32 to index
        %swap3A_309 = tpu.vector_load %arg7[%swap3A_306, %swap3A_307, %swap3A_308] {strides = array<i32>} : memref<2x3x2048xf32, #tpu.memory_space<vmem>>, vector<16xf32>,
        tpu.vector_store %arg7[%swap3A_306, %swap3A_307, %swap3A_308], %get3A_302 {strides = array<i32>} : memref<2x3x2048xf32, #tpu.memory_space<vmem>>, vector<16xf32>,
        %scan3A_310 = arith.constant 0 : i32
        %scan3A_311 = arith.constant 5 : i32
        %scan3A_312 = arith.addi %scan3A_232, %scan3A_311 : i32
        %mul3A_313 = arith.constant 16 : i32
        %mul3A_314 = arith.muli %scan3A_312, %mul3A_313 : i32
        %add3A_315 = arith.addi %reduce_max3A_119, %mul3A_314 : i32
        %get3A_316 = arith.index_cast %and3A_72 : i32 to index
        %get3A_317 = arith.index_cast %add3A_315 : i32 to index
        %get3A_318 = tpu.vector_load %arg6[%get3A_316, %get3A_317] {strides = array<i32>} : memref<2x4096xf32, #tpu.memory_space<vmem>>, vector<16xf32>,
        %mul3A_319 = arith.constant 16 : i32
        %mul3A_320 = arith.muli %scan3A_312, %mul3A_319 : i32
        %swap3A_321 = arith.constant 0 : i32
        %swap3A_322 = arith.index_cast %and3A_72 : i32 to index
        %swap3A_323 = arith.index_cast %swap3A_321 : i32 to index
        %swap3A_324 = arith.index_cast %mul3A_320 : i32 to index
        %swap3A_325 = tpu.vector_load %arg7[%swap3A_322, %swap3A_323, %swap3A_324] {strides = array<i32>} : memref<2x3x2048xf32, #tpu.memory_space<vmem>>, vector<16xf32>,
        tpu.vector_store %arg7[%swap3A_322, %swap3A_323, %swap3A_324], %get3A_318 {strides = array<i32>} : memref<2x3x2048xf32, #tpu.memory_space<vmem>>, vector<16xf32>,
        %scan3A_326 = arith.constant 0 : i32
        %scan3A_327 = arith.constant 6 : i32
        %scan3A_328 = arith.addi %scan3A_232, %scan3A_327 : i32
        %mul3A_329 = arith.constant 16 : i32
        %mul3A_330 = arith.muli %scan3A_328, %mul3A_329 : i32
        %add3A_331 = arith.addi %reduce_max3A_119, %mul3A_330 : i32
        %get3A_332 = arith.index_cast %and3A_72 : i32 to index
        %get3A_333 = arith.index_cast %add3A_331 : i32 to index
        %get3A_334 = tpu.vector_load %arg6[%get3A_332, %get3A_333] {strides = array<i32>} : memref<2x4096xf32, #tpu.memory_space<vmem>>, vector<16xf32>,
        %mul3A_335 = arith.constant 16 : i32
        %mul3A_336 = arith.muli %scan3A_328, %mul3A_335 : i32
        %swap3A_337 = arith.constant 0 : i32
        %swap3A_338 = arith.index_cast %and3A_72 : i32 to index
        %swap3A_339 = arith.index_cast %swap3A_337 : i32 to index
        %swap3A_340 = arith.index_cast %mul3A_336 : i32 to index
        %swap3A_341 = tpu.vector_load %arg7[%swap3A_338, %swap3A_339, %swap3A_340] {strides = array<i32>} : memref<2x3x2048xf32, #tpu.memory_space<vmem>>, vector<16xf32>,
        tpu.vector_store %arg7[%swap3A_338, %swap3A_339, %swap3A_340], %get3A_334 {strides = array<i32>} : memref<2x3x2048xf32, #tpu.memory_space<vmem>>, vector<16xf32>,
        %scan3A_342 = arith.constant 0 : i32
        %scan3A_343 = arith.constant 7 : i32
        %scan3A_344 = arith.addi %scan3A_232, %scan3A_343 : i32
        %mul3A_345 = arith.constant 16 : i32
        %mul3A_346 = arith.muli %scan3A_344, %mul3A_345 : i32
        %add3A_347 = arith.addi %reduce_max3A_119, %mul3A_346 : i32
        %get3A_348 = arith.index_cast %and3A_72 : i32 to index
        %get3A_349 = arith.index_cast %add3A_347 : i32 to index
        %get3A_350 = tpu.vector_load %arg6[%get3A_348, %get3A_349] {strides = array<i32>} : memref<2x4096xf32, #tpu.memory_space<vmem>>, vector<16xf32>,
        %mul3A_351 = arith.constant 16 : i32
        %mul3A_352 = arith.muli %scan3A_344, %mul3A_351 : i32
        %swap3A_353 = arith.constant 0 : i32
        %swap3A_354 = arith.index_cast %and3A_72 : i32 to index
        %swap3A_355 = arith.index_cast %swap3A_353 : i32 to index
        %swap3A_356 = arith.index_cast %mul3A_352 : i32 to index
        %swap3A_357 = tpu.vector_load %arg7[%swap3A_354, %swap3A_355, %swap3A_356] {strides = array<i32>} : memref<2x3x2048xf32, #tpu.memory_space<vmem>>, vector<16xf32>,
        tpu.vector_store %arg7[%swap3A_354, %swap3A_355, %swap3A_356], %get3A_350 {strides = array<i32>} : memref<2x3x2048xf32, #tpu.memory_space<vmem>>, vector<16xf32>,
        %scan3A_358 = arith.constant 0 : i32
        scf.yield %scan3A_358 : i32
      }
      %scan3A_126 = arith.constant 128 : i32
      %dma_start3A_127 = arith.constant 0 : i32
      %dma_start3A_128 = arith.constant 0 : i32
      %dma_start3A_129 = arith.constant 0 : i32
      %dma_start3A_130 = tpu.memref_slice %arg7[%and3A_72, %dma_start3A_127, %dma_start3A_129] : memref<2x3x2048xf32, #tpu.memory_space<vmem>> -> memref<1x1x2048xf32, #tpu.memory_space<vmem>>
      %dma_start3A_131 = tpu.memref_squeeze %dma_start3A_130 : memref<1x1x2048xf32, #tpu.memory_space<vmem>> -> memref<2048xf32, #tpu.memory_space<vmem>>
      %dma_start3A_132 = arith.constant 0 : i32
      %dma_start3A_133 = tpu.memref_slice %arg4[%dma_start3A_128, %add3A_71, %dma_start3A_132] : memref<3x3072x2048xf32, #tpu.memory_space<hbm>> -> memref<1x1x2048xf32, #tpu.memory_space<hbm>>
      %dma_start3A_134 = tpu.memref_squeeze %dma_start3A_133 : memref<1x1x2048xf32, #tpu.memory_space<hbm>> -> memref<2048xf32, #tpu.memory_space<hbm>>
      %dma_start3A_135 = arith.constant 0 : i32
      %dma_start3A_136 = tpu.memref_slice %arg4[%dma_start3A_128, %add3A_71, %dma_start3A_135] : memref<3x3072x2048xf32, #tpu.memory_space<hbm>> -> memref<1x1x2048xf32, #tpu.memory_space<hbm>>
      %dma_start3A_137 = tpu.memref_squeeze %dma_start3A_136 : memref<1x1x2048xf32, #tpu.memory_space<hbm>> -> memref<2048xf32, #tpu.memory_space<hbm>>
      %dma_start3A_138 = arith.constant 0 : i32
      %dma_start3A_139 = tpu.memref_slice %arg7[%and3A_72, %dma_start3A_127, %dma_start3A_138] : memref<2x3x2048xf32, #tpu.memory_space<vmem>> -> memref<1x1x2048xf32, #tpu.memory_space<vmem>>
      %dma_start3A_140 = tpu.memref_squeeze %dma_start3A_139 : memref<1x1x2048xf32, #tpu.memory_space<vmem>> -> memref<2048xf32, #tpu.memory_space<vmem>>
      tpu.enqueue_dma source(%dma_start3A_140 : memref<2048xf32, #tpu.memory_space<vmem>>) target(%dma_start3A_137 : memref<2048xf32, #tpu.memory_space<hbm>>) target_semaphore(%arg9 : memref<!tpu.dma_semaphore, #tpu.memory_space<semaphore_mem>>)
      %shift_right_arithmetic3A_141 = arith.constant 4 : i32
      %shift_right_arithmetic3A_142 = arith.shrsi %scan3A_69, %shift_right_arithmetic3A_141 : i32
      %shift_left3A_143 = arith.constant 4 : i32
      %shift_left3A_144 = arith.shli %shift_right_arithmetic3A_142, %shift_left3A_143 : i32
      %get3A_145 = arith.constant 1 : i32
      %get3A_146 = arith.index_cast %get3A_145 : i32 to index
      %get3A_147 = arith.index_cast %shift_left3A_144 : i32 to index
      %get3A_148 = tpu.vector_load %arg5[%get3A_146, %get3A_147] {strides = array<i32>} : memref<3x96xi32, #tpu.memory_space<vmem>>, vector<16xi32>,
      %and3A_149 = arith.constant 15 : i32
      %and3A_150 = arith.andi %scan3A_69, %and3A_149 : i32
      %iota3A_151 = tpu.iota {dimensions = array<i32: 0>} : vector<16xi32>
      %eq3A_152 = vector.broadcast %and3A_150 : i32 to vector<16xi32>
      %eq3A_153 = arith.cmpi eq, %iota3A_151, %eq3A_152 : vector<16xi32>
      %jit3A_154 = arith.constant 0 : i32
      %broadcast_in_dim3A_155 = vector.broadcast %jit3A_154 : i32 to vector<16xi32>
      %select_n3A_156 = arith.select %eq3A_153, %get3A_148, %broadcast_in_dim3A_155 : vector<16xi1>, vector<16xi32>
      %reduce_max3A_157 = arith.constant true
      %reduce_max3A_158 = vector.broadcast %reduce_max3A_157 : i1 to vector<16xi1>
      %reduce_max3A_159 = arith.constant -2147483648 : i32
      %reduce_max3A_160 = vector.broadcast %reduce_max3A_159 : i32 to vector<16xi32>
      %reduce_max3A_161 = arith.xori %select_n3A_156, %reduce_max3A_160 : vector<16xi32>
      %reduce_max3A_162 = tpu.scan <max>, %reduce_max3A_161 masked %reduce_max3A_158 : vector<16xi32>, vector<16xi1> -> vector<16xi32>
      %reduce_max3A_163 = arith.xori %reduce_max3A_162, %reduce_max3A_160 : vector<16xi32>
      %reduce_max3A_164 = vector.extract %reduce_max3A_163[15] : i32 from vector<16xi32>
      %scan3A_165 = arith.constant 0 : i32
      %scan3A_166 = arith.constant 0 : i32
      %scan3A_167 = arith.constant 128 : i32
      %scan3A_168 = arith.addi %scan3A_166, %scan3A_167 : i32
      %scan3A_169 = arith.constant 8 : i32
      %scan3A_170 = scf.for %scan3A_232 = %scan3A_166 to %scan3A_168 step %scan3A_169 iter_args(%scan3A_233 = %scan3A_165) -> (i32)  : i32 {
        %mul3A_234 = arith.constant 16 : i32
        %mul3A_235 = arith.muli %scan3A_232, %mul3A_234 : i32
        %add3A_236 = arith.addi %reduce_max3A_164, %mul3A_235 : i32
        %get3A_237 = arith.index_cast %and3A_72 : i32 to index
        %get3A_238 = arith.index_cast %add3A_236 : i32 to index
        %get3A_239 = tpu.vector_load %arg6[%get3A_237, %get3A_238] {strides = array<i32>} : memref<2x4096xf32, #tpu.memory_space<vmem>>, vector<16xf32>,
        %mul3A_240 = arith.constant 16 : i32
        %mul3A_241 = arith.muli %scan3A_232, %mul3A_240 : i32
        %swap3A = arith.constant 1 : i32
        %swap3A_242 = arith.index_cast %and3A_72 : i32 to index
        %swap3A_243 = arith.index_cast %swap3A : i32 to index
        %swap3A_244 = arith.index_cast %mul3A_241 : i32 to index
        %swap3A_245 = tpu.vector_load %arg7[%swap3A_242, %swap3A_243, %swap3A_244] {strides = array<i32>} : memref<2x3x2048xf32, #tpu.memory_space<vmem>>, vector<16xf32>,
        tpu.vector_store %arg7[%swap3A_242, %swap3A_243, %swap3A_244], %get3A_239 {strides = array<i32>} : memref<2x3x2048xf32, #tpu.memory_space<vmem>>, vector<16xf32>,
        %scan3A_246 = arith.constant 0 : i32
        %scan3A_247 = arith.constant 1 : i32
        %scan3A_248 = arith.addi %scan3A_232, %scan3A_247 : i32
        %mul3A_249 = arith.constant 16 : i32
        %mul3A_250 = arith.muli %scan3A_248, %mul3A_249 : i32
        %add3A_251 = arith.addi %reduce_max3A_164, %mul3A_250 : i32
        %get3A_252 = arith.index_cast %and3A_72 : i32 to index
        %get3A_253 = arith.index_cast %add3A_251 : i32 to index
        %get3A_254 = tpu.vector_load %arg6[%get3A_252, %get3A_253] {strides = array<i32>} : memref<2x4096xf32, #tpu.memory_space<vmem>>, vector<16xf32>,
        %mul3A_255 = arith.constant 16 : i32
        %mul3A_256 = arith.muli %scan3A_248, %mul3A_255 : i32
        %swap3A_257 = arith.constant 1 : i32
        %swap3A_258 = arith.index_cast %and3A_72 : i32 to index
        %swap3A_259 = arith.index_cast %swap3A_257 : i32 to index
        %swap3A_260 = arith.index_cast %mul3A_256 : i32 to index
        %swap3A_261 = tpu.vector_load %arg7[%swap3A_258, %swap3A_259, %swap3A_260] {strides = array<i32>} : memref<2x3x2048xf32, #tpu.memory_space<vmem>>, vector<16xf32>,
        tpu.vector_store %arg7[%swap3A_258, %swap3A_259, %swap3A_260], %get3A_254 {strides = array<i32>} : memref<2x3x2048xf32, #tpu.memory_space<vmem>>, vector<16xf32>,
        %scan3A_262 = arith.constant 0 : i32
        %scan3A_263 = arith.constant 2 : i32
        %scan3A_264 = arith.addi %scan3A_232, %scan3A_263 : i32
        %mul3A_265 = arith.constant 16 : i32
        %mul3A_266 = arith.muli %scan3A_264, %mul3A_265 : i32
        %add3A_267 = arith.addi %reduce_max3A_164, %mul3A_266 : i32
        %get3A_268 = arith.index_cast %and3A_72 : i32 to index
        %get3A_269 = arith.index_cast %add3A_267 : i32 to index
        %get3A_270 = tpu.vector_load %arg6[%get3A_268, %get3A_269] {strides = array<i32>} : memref<2x4096xf32, #tpu.memory_space<vmem>>, vector<16xf32>,
        %mul3A_271 = arith.constant 16 : i32
        %mul3A_272 = arith.muli %scan3A_264, %mul3A_271 : i32
        %swap3A_273 = arith.constant 1 : i32
        %swap3A_274 = arith.index_cast %and3A_72 : i32 to index
        %swap3A_275 = arith.index_cast %swap3A_273 : i32 to index
        %swap3A_276 = arith.index_cast %mul3A_272 : i32 to index
        %swap3A_277 = tpu.vector_load %arg7[%swap3A_274, %swap3A_275, %swap3A_276] {strides = array<i32>} : memref<2x3x2048xf32, #tpu.memory_space<vmem>>, vector<16xf32>,
        tpu.vector_store %arg7[%swap3A_274, %swap3A_275, %swap3A_276], %get3A_270 {strides = array<i32>} : memref<2x3x2048xf32, #tpu.memory_space<vmem>>, vector<16xf32>,
        %scan3A_278 = arith.constant 0 : i32
        %scan3A_279 = arith.constant 3 : i32
        %scan3A_280 = arith.addi %scan3A_232, %scan3A_279 : i32
        %mul3A_281 = arith.constant 16 : i32
        %mul3A_282 = arith.muli %scan3A_280, %mul3A_281 : i32
        %add3A_283 = arith.addi %reduce_max3A_164, %mul3A_282 : i32
        %get3A_284 = arith.index_cast %and3A_72 : i32 to index
        %get3A_285 = arith.index_cast %add3A_283 : i32 to index
        %get3A_286 = tpu.vector_load %arg6[%get3A_284, %get3A_285] {strides = array<i32>} : memref<2x4096xf32, #tpu.memory_space<vmem>>, vector<16xf32>,
        %mul3A_287 = arith.constant 16 : i32
        %mul3A_288 = arith.muli %scan3A_280, %mul3A_287 : i32
        %swap3A_289 = arith.constant 1 : i32
        %swap3A_290 = arith.index_cast %and3A_72 : i32 to index
        %swap3A_291 = arith.index_cast %swap3A_289 : i32 to index
        %swap3A_292 = arith.index_cast %mul3A_288 : i32 to index
        %swap3A_293 = tpu.vector_load %arg7[%swap3A_290, %swap3A_291, %swap3A_292] {strides = array<i32>} : memref<2x3x2048xf32, #tpu.memory_space<vmem>>, vector<16xf32>,
        tpu.vector_store %arg7[%swap3A_290, %swap3A_291, %swap3A_292], %get3A_286 {strides = array<i32>} : memref<2x3x2048xf32, #tpu.memory_space<vmem>>, vector<16xf32>,
        %scan3A_294 = arith.constant 0 : i32
        %scan3A_295 = arith.constant 4 : i32
        %scan3A_296 = arith.addi %scan3A_232, %scan3A_295 : i32
        %mul3A_297 = arith.constant 16 : i32
        %mul3A_298 = arith.muli %scan3A_296, %mul3A_297 : i32
        %add3A_299 = arith.addi %reduce_max3A_164, %mul3A_298 : i32
        %get3A_300 = arith.index_cast %and3A_72 : i32 to index
        %get3A_301 = arith.index_cast %add3A_299 : i32 to index
        %get3A_302 = tpu.vector_load %arg6[%get3A_300, %get3A_301] {strides = array<i32>} : memref<2x4096xf32, #tpu.memory_space<vmem>>, vector<16xf32>,
        %mul3A_303 = arith.constant 16 : i32
        %mul3A_304 = arith.muli %scan3A_296, %mul3A_303 : i32
        %swap3A_305 = arith.constant 1 : i32
        %swap3A_306 = arith.index_cast %and3A_72 : i32 to index
        %swap3A_307 = arith.index_cast %swap3A_305 : i32 to index
        %swap3A_308 = arith.index_cast %mul3A_304 : i32 to index
        %swap3A_309 = tpu.vector_load %arg7[%swap3A_306, %swap3A_307, %swap3A_308] {strides = array<i32>} : memref<2x3x2048xf32, #tpu.memory_space<vmem>>, vector<16xf32>,
        tpu.vector_store %arg7[%swap3A_306, %swap3A_307, %swap3A_308], %get3A_302 {strides = array<i32>} : memref<2x3x2048xf32, #tpu.memory_space<vmem>>, vector<16xf32>,
        %scan3A_310 = arith.constant 0 : i32
        %scan3A_311 = arith.constant 5 : i32
        %scan3A_312 = arith.addi %scan3A_232, %scan3A_311 : i32
        %mul3A_313 = arith.constant 16 : i32
        %mul3A_314 = arith.muli %scan3A_312, %mul3A_313 : i32
        %add3A_315 = arith.addi %reduce_max3A_164, %mul3A_314 : i32
        %get3A_316 = arith.index_cast %and3A_72 : i32 to index
        %get3A_317 = arith.index_cast %add3A_315 : i32 to index
        %get3A_318 = tpu.vector_load %arg6[%get3A_316, %get3A_317] {strides = array<i32>} : memref<2x4096xf32, #tpu.memory_space<vmem>>, vector<16xf32>,
        %mul3A_319 = arith.constant 16 : i32
        %mul3A_320 = arith.muli %scan3A_312, %mul3A_319 : i32
        %swap3A_321 = arith.constant 1 : i32
        %swap3A_322 = arith.index_cast %and3A_72 : i32 to index
        %swap3A_323 = arith.index_cast %swap3A_321 : i32 to index
        %swap3A_324 = arith.index_cast %mul3A_320 : i32 to index
        %swap3A_325 = tpu.vector_load %arg7[%swap3A_322, %swap3A_323, %swap3A_324] {strides = array<i32>} : memref<2x3x2048xf32, #tpu.memory_space<vmem>>, vector<16xf32>,
        tpu.vector_store %arg7[%swap3A_322, %swap3A_323, %swap3A_324], %get3A_318 {strides = array<i32>} : memref<2x3x2048xf32, #tpu.memory_space<vmem>>, vector<16xf32>,
        %scan3A_326 = arith.constant 0 : i32
        %scan3A_327 = arith.constant 6 : i32
        %scan3A_328 = arith.addi %scan3A_232, %scan3A_327 : i32
        %mul3A_329 = arith.constant 16 : i32
        %mul3A_330 = arith.muli %scan3A_328, %mul3A_329 : i32
        %add3A_331 = arith.addi %reduce_max3A_164, %mul3A_330 : i32
        %get3A_332 = arith.index_cast %and3A_72 : i32 to index
        %get3A_333 = arith.index_cast %add3A_331 : i32 to index
        %get3A_334 = tpu.vector_load %arg6[%get3A_332, %get3A_333] {strides = array<i32>} : memref<2x4096xf32, #tpu.memory_space<vmem>>, vector<16xf32>,
        %mul3A_335 = arith.constant 16 : i32
        %mul3A_336 = arith.muli %scan3A_328, %mul3A_335 : i32
        %swap3A_337 = arith.constant 1 : i32
        %swap3A_338 = arith.index_cast %and3A_72 : i32 to index
        %swap3A_339 = arith.index_cast %swap3A_337 : i32 to index
        %swap3A_340 = arith.index_cast %mul3A_336 : i32 to index
        %swap3A_341 = tpu.vector_load %arg7[%swap3A_338, %swap3A_339, %swap3A_340] {strides = array<i32>} : memref<2x3x2048xf32, #tpu.memory_space<vmem>>, vector<16xf32>,
        tpu.vector_store %arg7[%swap3A_338, %swap3A_339, %swap3A_340], %get3A_334 {strides = array<i32>} : memref<2x3x2048xf32, #tpu.memory_space<vmem>>, vector<16xf32>,
        %scan3A_342 = arith.constant 0 : i32
        %scan3A_343 = arith.constant 7 : i32
        %scan3A_344 = arith.addi %scan3A_232, %scan3A_343 : i32
        %mul3A_345 = arith.constant 16 : i32
        %mul3A_346 = arith.muli %scan3A_344, %mul3A_345 : i32
        %add3A_347 = arith.addi %reduce_max3A_164, %mul3A_346 : i32
        %get3A_348 = arith.index_cast %and3A_72 : i32 to index
        %get3A_349 = arith.index_cast %add3A_347 : i32 to index
        %get3A_350 = tpu.vector_load %arg6[%get3A_348, %get3A_349] {strides = array<i32>} : memref<2x4096xf32, #tpu.memory_space<vmem>>, vector<16xf32>,
        %mul3A_351 = arith.constant 16 : i32
        %mul3A_352 = arith.muli %scan3A_344, %mul3A_351 : i32
        %swap3A_353 = arith.constant 1 : i32
        %swap3A_354 = arith.index_cast %and3A_72 : i32 to index
        %swap3A_355 = arith.index_cast %swap3A_353 : i32 to index
        %swap3A_356 = arith.index_cast %mul3A_352 : i32 to index
        %swap3A_357 = tpu.vector_load %arg7[%swap3A_354, %swap3A_355, %swap3A_356] {strides = array<i32>} : memref<2x3x2048xf32, #tpu.memory_space<vmem>>, vector<16xf32>,
        tpu.vector_store %arg7[%swap3A_354, %swap3A_355, %swap3A_356], %get3A_350 {strides = array<i32>} : memref<2x3x2048xf32, #tpu.memory_space<vmem>>, vector<16xf32>,
        %scan3A_358 = arith.constant 0 : i32
        scf.yield %scan3A_358 : i32
      }
      %scan3A_171 = arith.constant 128 : i32
      %dma_start3A_172 = arith.constant 1 : i32
      %dma_start3A_173 = arith.constant 1 : i32
      %dma_start3A_174 = arith.constant 0 : i32
      %dma_start3A_175 = tpu.memref_slice %arg7[%and3A_72, %dma_start3A_172, %dma_start3A_174] : memref<2x3x2048xf32, #tpu.memory_space<vmem>> -> memref<1x1x2048xf32, #tpu.memory_space<vmem>>
      %dma_start3A_176 = tpu.memref_squeeze %dma_start3A_175 : memref<1x1x2048xf32, #tpu.memory_space<vmem>> -> memref<2048xf32, #tpu.memory_space<vmem>>
      %dma_start3A_177 = arith.constant 0 : i32
      %dma_start3A_178 = tpu.memref_slice %arg4[%dma_start3A_173, %add3A_71, %dma_start3A_177] : memref<3x3072x2048xf32, #tpu.memory_space<hbm>> -> memref<1x1x2048xf32, #tpu.memory_space<hbm>>
      %dma_start3A_179 = tpu.memref_squeeze %dma_start3A_178 : memref<1x1x2048xf32, #tpu.memory_space<hbm>> -> memref<2048xf32, #tpu.memory_space<hbm>>
      %dma_start3A_180 = arith.constant 0 : i32
      %dma_start3A_181 = tpu.memref_slice %arg4[%dma_start3A_173, %add3A_71, %dma_start3A_180] : memref<3x3072x2048xf32, #tpu.memory_space<hbm>> -> memref<1x1x2048xf32, #tpu.memory_space<hbm>>
      %dma_start3A_182 = tpu.memref_squeeze %dma_start3A_181 : memref<1x1x2048xf32, #tpu.memory_space<hbm>> -> memref<2048xf32, #tpu.memory_space<hbm>>
      %dma_start3A_183 = arith.constant 0 : i32
      %dma_start3A_184 = tpu.memref_slice %arg7[%and3A_72, %dma_start3A_172, %dma_start3A_183] : memref<2x3x2048xf32, #tpu.memory_space<vmem>> -> memref<1x1x2048xf32, #tpu.memory_space<vmem>>
      %dma_start3A_185 = tpu.memref_squeeze %dma_start3A_184 : memref<1x1x2048xf32, #tpu.memory_space<vmem>> -> memref<2048xf32, #tpu.memory_space<vmem>>
      tpu.enqueue_dma source(%dma_start3A_185 : memref<2048xf32, #tpu.memory_space<vmem>>) target(%dma_start3A_182 : memref<2048xf32, #tpu.memory_space<hbm>>) target_semaphore(%arg9 : memref<!tpu.dma_semaphore, #tpu.memory_space<semaphore_mem>>)
      %shift_right_arithmetic3A_186 = arith.constant 4 : i32
      %shift_right_arithmetic3A_187 = arith.shrsi %scan3A_69, %shift_right_arithmetic3A_186 : i32
      %shift_left3A_188 = arith.constant 4 : i32
      %shift_left3A_189 = arith.shli %shift_right_arithmetic3A_187, %shift_left3A_188 : i32
      %get3A_190 = arith.constant 2 : i32
      %get3A_191 = arith.index_cast %get3A_190 : i32 to index
      %get3A_192 = arith.index_cast %shift_left3A_189 : i32 to index
      %get3A_193 = tpu.vector_load %arg5[%get3A_191, %get3A_192] {strides = array<i32>} : memref<3x96xi32, #tpu.memory_space<vmem>>, vector<16xi32>,
      %and3A_194 = arith.constant 15 : i32
      %and3A_195 = arith.andi %scan3A_69, %and3A_194 : i32
      %iota3A_196 = tpu.iota {dimensions = array<i32: 0>} : vector<16xi32>
      %eq3A_197 = vector.broadcast %and3A_195 : i32 to vector<16xi32>
      %eq3A_198 = arith.cmpi eq, %iota3A_196, %eq3A_197 : vector<16xi32>
      %jit3A_199 = arith.constant 0 : i32
      %broadcast_in_dim3A_200 = vector.broadcast %jit3A_199 : i32 to vector<16xi32>
      %select_n3A_201 = arith.select %eq3A_198, %get3A_193, %broadcast_in_dim3A_200 : vector<16xi1>, vector<16xi32>
      %reduce_max3A_202 = arith.constant true
      %reduce_max3A_203 = vector.broadcast %reduce_max3A_202 : i1 to vector<16xi1>
      %reduce_max3A_204 = arith.constant -2147483648 : i32
      %reduce_max3A_205 = vector.broadcast %reduce_max3A_204 : i32 to vector<16xi32>
      %reduce_max3A_206 = arith.xori %select_n3A_201, %reduce_max3A_205 : vector<16xi32>
      %reduce_max3A_207 = tpu.scan <max>, %reduce_max3A_206 masked %reduce_max3A_203 : vector<16xi32>, vector<16xi1> -> vector<16xi32>
      %reduce_max3A_208 = arith.xori %reduce_max3A_207, %reduce_max3A_205 : vector<16xi32>
      %reduce_max3A_209 = vector.extract %reduce_max3A_208[15] : i32 from vector<16xi32>
      %scan3A_210 = arith.constant 0 : i32
      %scan3A_211 = arith.constant 0 : i32
      %scan3A_212 = arith.constant 128 : i32
      %scan3A_213 = arith.addi %scan3A_211, %scan3A_212 : i32
      %scan3A_214 = arith.constant 8 : i32
      %scan3A_215 = scf.for %scan3A_232 = %scan3A_211 to %scan3A_213 step %scan3A_214 iter_args(%scan3A_233 = %scan3A_210) -> (i32)  : i32 {
        %mul3A_234 = arith.constant 16 : i32
        %mul3A_235 = arith.muli %scan3A_232, %mul3A_234 : i32
        %add3A_236 = arith.addi %reduce_max3A_209, %mul3A_235 : i32
        %get3A_237 = arith.index_cast %and3A_72 : i32 to index
        %get3A_238 = arith.index_cast %add3A_236 : i32 to index
        %get3A_239 = tpu.vector_load %arg6[%get3A_237, %get3A_238] {strides = array<i32>} : memref<2x4096xf32, #tpu.memory_space<vmem>>, vector<16xf32>,
        %mul3A_240 = arith.constant 16 : i32
        %mul3A_241 = arith.muli %scan3A_232, %mul3A_240 : i32
        %swap3A = arith.constant 2 : i32
        %swap3A_242 = arith.index_cast %and3A_72 : i32 to index
        %swap3A_243 = arith.index_cast %swap3A : i32 to index
        %swap3A_244 = arith.index_cast %mul3A_241 : i32 to index
        %swap3A_245 = tpu.vector_load %arg7[%swap3A_242, %swap3A_243, %swap3A_244] {strides = array<i32>} : memref<2x3x2048xf32, #tpu.memory_space<vmem>>, vector<16xf32>,
        tpu.vector_store %arg7[%swap3A_242, %swap3A_243, %swap3A_244], %get3A_239 {strides = array<i32>} : memref<2x3x2048xf32, #tpu.memory_space<vmem>>, vector<16xf32>,
        %scan3A_246 = arith.constant 0 : i32
        %scan3A_247 = arith.constant 1 : i32
        %scan3A_248 = arith.addi %scan3A_232, %scan3A_247 : i32
        %mul3A_249 = arith.constant 16 : i32
        %mul3A_250 = arith.muli %scan3A_248, %mul3A_249 : i32
        %add3A_251 = arith.addi %reduce_max3A_209, %mul3A_250 : i32
        %get3A_252 = arith.index_cast %and3A_72 : i32 to index
        %get3A_253 = arith.index_cast %add3A_251 : i32 to index
        %get3A_254 = tpu.vector_load %arg6[%get3A_252, %get3A_253] {strides = array<i32>} : memref<2x4096xf32, #tpu.memory_space<vmem>>, vector<16xf32>,
        %mul3A_255 = arith.constant 16 : i32
        %mul3A_256 = arith.muli %scan3A_248, %mul3A_255 : i32
        %swap3A_257 = arith.constant 2 : i32
        %swap3A_258 = arith.index_cast %and3A_72 : i32 to index
        %swap3A_259 = arith.index_cast %swap3A_257 : i32 to index
        %swap3A_260 = arith.index_cast %mul3A_256 : i32 to index
        %swap3A_261 = tpu.vector_load %arg7[%swap3A_258, %swap3A_259, %swap3A_260] {strides = array<i32>} : memref<2x3x2048xf32, #tpu.memory_space<vmem>>, vector<16xf32>,
        tpu.vector_store %arg7[%swap3A_258, %swap3A_259, %swap3A_260], %get3A_254 {strides = array<i32>} : memref<2x3x2048xf32, #tpu.memory_space<vmem>>, vector<16xf32>,
        %scan3A_262 = arith.constant 0 : i32
        %scan3A_263 = arith.constant 2 : i32
        %scan3A_264 = arith.addi %scan3A_232, %scan3A_263 : i32
        %mul3A_265 = arith.constant 16 : i32
        %mul3A_266 = arith.muli %scan3A_264, %mul3A_265 : i32
        %add3A_267 = arith.addi %reduce_max3A_209, %mul3A_266 : i32
        %get3A_268 = arith.index_cast %and3A_72 : i32 to index
        %get3A_269 = arith.index_cast %add3A_267 : i32 to index
        %get3A_270 = tpu.vector_load %arg6[%get3A_268, %get3A_269] {strides = array<i32>} : memref<2x4096xf32, #tpu.memory_space<vmem>>, vector<16xf32>,
        %mul3A_271 = arith.constant 16 : i32
        %mul3A_272 = arith.muli %scan3A_264, %mul3A_271 : i32
        %swap3A_273 = arith.constant 2 : i32
        %swap3A_274 = arith.index_cast %and3A_72 : i32 to index
        %swap3A_275 = arith.index_cast %swap3A_273 : i32 to index
        %swap3A_276 = arith.index_cast %mul3A_272 : i32 to index
        %swap3A_277 = tpu.vector_load %arg7[%swap3A_274, %swap3A_275, %swap3A_276] {strides = array<i32>} : memref<2x3x2048xf32, #tpu.memory_space<vmem>>, vector<16xf32>,
        tpu.vector_store %arg7[%swap3A_274, %swap3A_275, %swap3A_276], %get3A_270 {strides = array<i32>} : memref<2x3x2048xf32, #tpu.memory_space<vmem>>, vector<16xf32>,
        %scan3A_278 = arith.constant 0 : i32
        %scan3A_279 = arith.constant 3 : i32
        %scan3A_280 = arith.addi %scan3A_232, %scan3A_279 : i32
        %mul3A_281 = arith.constant 16 : i32
        %mul3A_282 = arith.muli %scan3A_280, %mul3A_281 : i32
        %add3A_283 = arith.addi %reduce_max3A_209, %mul3A_282 : i32
        %get3A_284 = arith.index_cast %and3A_72 : i32 to index
        %get3A_285 = arith.index_cast %add3A_283 : i32 to index
        %get3A_286 = tpu.vector_load %arg6[%get3A_284, %get3A_285] {strides = array<i32>} : memref<2x4096xf32, #tpu.memory_space<vmem>>, vector<16xf32>,
        %mul3A_287 = arith.constant 16 : i32
        %mul3A_288 = arith.muli %scan3A_280, %mul3A_287 : i32
        %swap3A_289 = arith.constant 2 : i32
        %swap3A_290 = arith.index_cast %and3A_72 : i32 to index
        %swap3A_291 = arith.index_cast %swap3A_289 : i32 to index
        %swap3A_292 = arith.index_cast %mul3A_288 : i32 to index
        %swap3A_293 = tpu.vector_load %arg7[%swap3A_290, %swap3A_291, %swap3A_292] {strides = array<i32>} : memref<2x3x2048xf32, #tpu.memory_space<vmem>>, vector<16xf32>,
        tpu.vector_store %arg7[%swap3A_290, %swap3A_291, %swap3A_292], %get3A_286 {strides = array<i32>} : memref<2x3x2048xf32, #tpu.memory_space<vmem>>, vector<16xf32>,
        %scan3A_294 = arith.constant 0 : i32
        %scan3A_295 = arith.constant 4 : i32
        %scan3A_296 = arith.addi %scan3A_232, %scan3A_295 : i32
        %mul3A_297 = arith.constant 16 : i32
        %mul3A_298 = arith.muli %scan3A_296, %mul3A_297 : i32
        %add3A_299 = arith.addi %reduce_max3A_209, %mul3A_298 : i32
        %get3A_300 = arith.index_cast %and3A_72 : i32 to index
        %get3A_301 = arith.index_cast %add3A_299 : i32 to index
        %get3A_302 = tpu.vector_load %arg6[%get3A_300, %get3A_301] {strides = array<i32>} : memref<2x4096xf32, #tpu.memory_space<vmem>>, vector<16xf32>,
        %mul3A_303 = arith.constant 16 : i32
        %mul3A_304 = arith.muli %scan3A_296, %mul3A_303 : i32
        %swap3A_305 = arith.constant 2 : i32
        %swap3A_306 = arith.index_cast %and3A_72 : i32 to index
        %swap3A_307 = arith.index_cast %swap3A_305 : i32 to index
        %swap3A_308 = arith.index_cast %mul3A_304 : i32 to index
        %swap3A_309 = tpu.vector_load %arg7[%swap3A_306, %swap3A_307, %swap3A_308] {strides = array<i32>} : memref<2x3x2048xf32, #tpu.memory_space<vmem>>, vector<16xf32>,
        tpu.vector_store %arg7[%swap3A_306, %swap3A_307, %swap3A_308], %get3A_302 {strides = array<i32>} : memref<2x3x2048xf32, #tpu.memory_space<vmem>>, vector<16xf32>,
        %scan3A_310 = arith.constant 0 : i32
        %scan3A_311 = arith.constant 5 : i32
        %scan3A_312 = arith.addi %scan3A_232, %scan3A_311 : i32
        %mul3A_313 = arith.constant 16 : i32
        %mul3A_314 = arith.muli %scan3A_312, %mul3A_313 : i32
        %add3A_315 = arith.addi %reduce_max3A_209, %mul3A_314 : i32
        %get3A_316 = arith.index_cast %and3A_72 : i32 to index
        %get3A_317 = arith.index_cast %add3A_315 : i32 to index
        %get3A_318 = tpu.vector_load %arg6[%get3A_316, %get3A_317] {strides = array<i32>} : memref<2x4096xf32, #tpu.memory_space<vmem>>, vector<16xf32>,
        %mul3A_319 = arith.constant 16 : i32
        %mul3A_320 = arith.muli %scan3A_312, %mul3A_319 : i32
        %swap3A_321 = arith.constant 2 : i32
        %swap3A_322 = arith.index_cast %and3A_72 : i32 to index
        %swap3A_323 = arith.index_cast %swap3A_321 : i32 to index
        %swap3A_324 = arith.index_cast %mul3A_320 : i32 to index
        %swap3A_325 = tpu.vector_load %arg7[%swap3A_322, %swap3A_323, %swap3A_324] {strides = array<i32>} : memref<2x3x2048xf32, #tpu.memory_space<vmem>>, vector<16xf32>,
        tpu.vector_store %arg7[%swap3A_322, %swap3A_323, %swap3A_324], %get3A_318 {strides = array<i32>} : memref<2x3x2048xf32, #tpu.memory_space<vmem>>, vector<16xf32>,
        %scan3A_326 = arith.constant 0 : i32
        %scan3A_327 = arith.constant 6 : i32
        %scan3A_328 = arith.addi %scan3A_232, %scan3A_327 : i32
        %mul3A_329 = arith.constant 16 : i32
        %mul3A_330 = arith.muli %scan3A_328, %mul3A_329 : i32
        %add3A_331 = arith.addi %reduce_max3A_209, %mul3A_330 : i32
        %get3A_332 = arith.index_cast %and3A_72 : i32 to index
        %get3A_333 = arith.index_cast %add3A_331 : i32 to index
        %get3A_334 = tpu.vector_load %arg6[%get3A_332, %get3A_333] {strides = array<i32>} : memref<2x4096xf32, #tpu.memory_space<vmem>>, vector<16xf32>,
        %mul3A_335 = arith.constant 16 : i32
        %mul3A_336 = arith.muli %scan3A_328, %mul3A_335 : i32
        %swap3A_337 = arith.constant 2 : i32
        %swap3A_338 = arith.index_cast %and3A_72 : i32 to index
        %swap3A_339 = arith.index_cast %swap3A_337 : i32 to index
        %swap3A_340 = arith.index_cast %mul3A_336 : i32 to index
        %swap3A_341 = tpu.vector_load %arg7[%swap3A_338, %swap3A_339, %swap3A_340] {strides = array<i32>} : memref<2x3x2048xf32, #tpu.memory_space<vmem>>, vector<16xf32>,
        tpu.vector_store %arg7[%swap3A_338, %swap3A_339, %swap3A_340], %get3A_334 {strides = array<i32>} : memref<2x3x2048xf32, #tpu.memory_space<vmem>>, vector<16xf32>,
        %scan3A_342 = arith.constant 0 : i32
        %scan3A_343 = arith.constant 7 : i32
        %scan3A_344 = arith.addi %scan3A_232, %scan3A_343 : i32
        %mul3A_345 = arith.constant 16 : i32
        %mul3A_346 = arith.muli %scan3A_344, %mul3A_345 : i32
        %add3A_347 = arith.addi %reduce_max3A_209, %mul3A_346 : i32
        %get3A_348 = arith.index_cast %and3A_72 : i32 to index
        %get3A_349 = arith.index_cast %add3A_347 : i32 to index
        %get3A_350 = tpu.vector_load %arg6[%get3A_348, %get3A_349] {strides = array<i32>} : memref<2x4096xf32, #tpu.memory_space<vmem>>, vector<16xf32>,
        %mul3A_351 = arith.constant 16 : i32
        %mul3A_352 = arith.muli %scan3A_344, %mul3A_351 : i32
        %swap3A_353 = arith.constant 2 : i32
        %swap3A_354 = arith.index_cast %and3A_72 : i32 to index
        %swap3A_355 = arith.index_cast %swap3A_353 : i32 to index
        %swap3A_356 = arith.index_cast %mul3A_352 : i32 to index
        %swap3A_357 = tpu.vector_load %arg7[%swap3A_354, %swap3A_355, %swap3A_356] {strides = array<i32>} : memref<2x3x2048xf32, #tpu.memory_space<vmem>>, vector<16xf32>,
        tpu.vector_store %arg7[%swap3A_354, %swap3A_355, %swap3A_356], %get3A_350 {strides = array<i32>} : memref<2x3x2048xf32, #tpu.memory_space<vmem>>, vector<16xf32>,
        %scan3A_358 = arith.constant 0 : i32
        scf.yield %scan3A_358 : i32
      }
      %scan3A_216 = arith.constant 128 : i32
      %dma_start3A_217 = arith.constant 2 : i32
      %dma_start3A_218 = arith.constant 2 : i32
      %dma_start3A_219 = arith.constant 0 : i32
      %dma_start3A_220 = tpu.memref_slice %arg7[%and3A_72, %dma_start3A_217, %dma_start3A_219] : memref<2x3x2048xf32, #tpu.memory_space<vmem>> -> memref<1x1x2048xf32, #tpu.memory_space<vmem>>
      %dma_start3A_221 = tpu.memref_squeeze %dma_start3A_220 : memref<1x1x2048xf32, #tpu.memory_space<vmem>> -> memref<2048xf32, #tpu.memory_space<vmem>>
      %dma_start3A_222 = arith.constant 0 : i32
      %dma_start3A_223 = tpu.memref_slice %arg4[%dma_start3A_218, %add3A_71, %dma_start3A_222] : memref<3x3072x2048xf32, #tpu.memory_space<hbm>> -> memref<1x1x2048xf32, #tpu.memory_space<hbm>>
      %dma_start3A_224 = tpu.memref_squeeze %dma_start3A_223 : memref<1x1x2048xf32, #tpu.memory_space<hbm>> -> memref<2048xf32, #tpu.memory_space<hbm>>
      %dma_start3A_225 = arith.constant 0 : i32
      %dma_start3A_226 = tpu.memref_slice %arg4[%dma_start3A_218, %add3A_71, %dma_start3A_225] : memref<3x3072x2048xf32, #tpu.memory_space<hbm>> -> memref<1x1x2048xf32, #tpu.memory_space<hbm>>
      %dma_start3A_227 = tpu.memref_squeeze %dma_start3A_226 : memref<1x1x2048xf32, #tpu.memory_space<hbm>> -> memref<2048xf32, #tpu.memory_space<hbm>>
      %dma_start3A_228 = arith.constant 0 : i32
      %dma_start3A_229 = tpu.memref_slice %arg7[%and3A_72, %dma_start3A_217, %dma_start3A_228] : memref<2x3x2048xf32, #tpu.memory_space<vmem>> -> memref<1x1x2048xf32, #tpu.memory_space<vmem>>
      %dma_start3A_230 = tpu.memref_squeeze %dma_start3A_229 : memref<1x1x2048xf32, #tpu.memory_space<vmem>> -> memref<2048xf32, #tpu.memory_space<vmem>>
      tpu.enqueue_dma source(%dma_start3A_230 : memref<2048xf32, #tpu.memory_space<vmem>>) target(%dma_start3A_227 : memref<2048xf32, #tpu.memory_space<hbm>>) target_semaphore(%arg9 : memref<!tpu.dma_semaphore, #tpu.memory_space<semaphore_mem>>)
      %scan3A_231 = arith.constant 0 : i32
      scf.yield %scan3A_231 : i32
    }
    %scan3A_33 = arith.constant 96 : i32
    %dma_wait3A = arith.constant 0 : i32
    %dma_wait3A_34 = arith.constant 0 : i32
    %dma_wait3A_35 = arith.constant 0 : i32
    %dma_wait3A_36 = arith.constant 0 : i32
    %dma_wait3A_37 = tpu.memref_slice %arg7[%dma_wait3A_34, %dma_wait3A_35, %dma_wait3A_36] : memref<2x3x2048xf32, #tpu.memory_space<vmem>> -> memref<1x3x2048xf32, #tpu.memory_space<vmem>>
    %dma_wait3A_38 = tpu.memref_squeeze %dma_wait3A_37 : memref<1x3x2048xf32, #tpu.memory_space<vmem>> -> memref<3x2048xf32, #tpu.memory_space<vmem>>
    %dma_wait3A_39 = arith.constant 0 : i32
    %dma_wait3A_40 = arith.constant 0 : i32
    %dma_wait3A_41 = tpu.memref_slice %arg4[%dma_wait3A_39, %dma_wait3A, %dma_wait3A_40] : memref<3x3072x2048xf32, #tpu.memory_space<hbm>> -> memref<3x1x2048xf32, #tpu.memory_space<hbm>>
    %dma_wait3A_42 = tpu.memref_squeeze %dma_wait3A_41 : memref<3x1x2048xf32, #tpu.memory_space<hbm>> -> memref<3x2048xf32, #tpu.memory_space<hbm>>
    %dma_wait3A_43 = arith.constant 0 : i32
    %dma_wait3A_44 = arith.constant 0 : i32
    %dma_wait3A_45 = tpu.memref_slice %arg7[%dma_wait3A_34, %dma_wait3A_43, %dma_wait3A_44] : memref<2x3x2048xf32, #tpu.memory_space<vmem>> -> memref<1x3x2048xf32, #tpu.memory_space<vmem>>
    %dma_wait3A_46 = tpu.memref_squeeze %dma_wait3A_45 : memref<1x3x2048xf32, #tpu.memory_space<vmem>> -> memref<3x2048xf32, #tpu.memory_space<vmem>>
    %dma_wait3A_47 = arith.constant 0 : i32
    %dma_wait3A_48 = arith.constant 0 : i32
    %dma_wait3A_49 = tpu.memref_slice %arg4[%dma_wait3A_47, %dma_wait3A, %dma_wait3A_48] : memref<3x3072x2048xf32, #tpu.memory_space<hbm>> -> memref<3x1x2048xf32, #tpu.memory_space<hbm>>
    %dma_wait3A_50 = tpu.memref_squeeze %dma_wait3A_49 : memref<3x1x2048xf32, #tpu.memory_space<hbm>> -> memref<3x2048xf32, #tpu.memory_space<hbm>>
    tpu.wait_dma2 semaphore(%arg9 : memref<!tpu.dma_semaphore, #tpu.memory_space<semaphore_mem>>) src(%dma_wait3A_50 : memref<3x2048xf32, #tpu.memory_space<hbm>>) dst(%dma_wait3A_46 : memref<3x2048xf32, #tpu.memory_space<vmem>>)
    %dma_wait3A_51 = arith.constant 0 : i32
    %dma_wait3A_52 = arith.constant 1 : i32
    %dma_wait3A_53 = arith.constant 0 : i32
    %dma_wait3A_54 = arith.constant 0 : i32
    %dma_wait3A_55 = tpu.memref_slice %arg7[%dma_wait3A_52, %dma_wait3A_53, %dma_wait3A_54] : memref<2x3x2048xf32, #tpu.memory_space<vmem>> -> memref<1x3x2048xf32, #tpu.memory_space<vmem>>
    %dma_wait3A_56 = tpu.memref_squeeze %dma_wait3A_55 : memref<1x3x2048xf32, #tpu.memory_space<vmem>> -> memref<3x2048xf32, #tpu.memory_space<vmem>>
    %dma_wait3A_57 = arith.constant 0 : i32
    %dma_wait3A_58 = arith.constant 0 : i32
    %dma_wait3A_59 = tpu.memref_slice %arg4[%dma_wait3A_57, %dma_wait3A_51, %dma_wait3A_58] : memref<3x3072x2048xf32, #tpu.memory_space<hbm>> -> memref<3x1x2048xf32, #tpu.memory_space<hbm>>
    %dma_wait3A_60 = tpu.memref_squeeze %dma_wait3A_59 : memref<3x1x2048xf32, #tpu.memory_space<hbm>> -> memref<3x2048xf32, #tpu.memory_space<hbm>>
    %dma_wait3A_61 = arith.constant 0 : i32
    %dma_wait3A_62 = arith.constant 0 : i32
    %dma_wait3A_63 = tpu.memref_slice %arg7[%dma_wait3A_52, %dma_wait3A_61, %dma_wait3A_62] : memref<2x3x2048xf32, #tpu.memory_space<vmem>> -> memref<1x3x2048xf32, #tpu.memory_space<vmem>>
    %dma_wait3A_64 = tpu.memref_squeeze %dma_wait3A_63 : memref<1x3x2048xf32, #tpu.memory_space<vmem>> -> memref<3x2048xf32, #tpu.memory_space<vmem>>
    %dma_wait3A_65 = arith.constant 0 : i32
    %dma_wait3A_66 = arith.constant 0 : i32
    %dma_wait3A_67 = tpu.memref_slice %arg4[%dma_wait3A_65, %dma_wait3A_51, %dma_wait3A_66] : memref<3x3072x2048xf32, #tpu.memory_space<hbm>> -> memref<3x1x2048xf32, #tpu.memory_space<hbm>>
    %dma_wait3A_68 = tpu.memref_squeeze %dma_wait3A_67 : memref<3x1x2048xf32, #tpu.memory_space<hbm>> -> memref<3x2048xf32, #tpu.memory_space<hbm>>
    tpu.wait_dma2 semaphore(%arg9 : memref<!tpu.dma_semaphore, #tpu.memory_space<semaphore_mem>>) src(%dma_wait3A_68 : memref<3x2048xf32, #tpu.memory_space<hbm>>) dst(%dma_wait3A_64 : memref<3x2048xf32, #tpu.memory_space<vmem>>)
    return
  }
}

</mosaic_0001>

<sc_bundles>
// kernel: _roll_sc.3.cloned.1.call-start
scs
__scs_entry_jumppad:
0x0: {  	(pc) =	sbr.rel $0x88, $3  }
0x1: {  	(tag) =	ssettag $0x0;
	lr =	simm.s32 $0x1  }
0x2: {  	[smem:$0x3F9F] =	sst lr;
	_ =	strace $0xD0000000  }
0x3: {  	_ = 	snop  }
0x4: {  	_ = 	snop  }
0x5: {  	_ = 	snop  }
0x6: {  	_ = 	snop  }
0x7: {  	_ = 	snop  }
__scs_overlays_trampoline_lowered:
0x8: {  	[smem:$0x3FAE] =	sst s0  }
0x9: {  	[smem:$0x3FAF] =	sst s1  }
0xa: {  	[smem:$0x3FB0] =	sst s2  }
0xb: {  	[smem:$0x3FB1] =	sst s3  }
0xc: {  	[smem:$0x3FB2] =	sst s4  }
0xd: {  	[smem:$0x3FB3] =	sst s5  }
0xe: {  	[smem:$0x3FB4] =	sst s6  }
0xf: {  	[smem:$0x3FB5] =	sst s7  }
0x10: {  	[smem:$0x3FB6] =	sst s8  }
0x11: {  	[smem:$0x3FB7] =	sst s9;
	s0 =	simm.s32 @!p0 $0x0  }
0x12: {  	s1 =	sld [smem:$0x3F9D];
	s0 =	simm.s32 @p0 $0x1  }
0x13: {  	[smem:$0x3FB8] =	sst s0;
	s0 =	simm.s32 @!p1 $0x0  }
0x14: {  	s2 =	sld [smem:$0x3F9C];
	s0 =	simm.s32 @p1 $0x1  }
0x15: {  	[smem:$0x3FB9] =	sst s0;
	s0 =	simm.s32 @!p2 $0x0  }
0x16: {  	s3 =	sld [smem:$0x3FDB];
	s0 =	simm.s32 @p2 $0x1  }
0x17: {  	s4 =	simm.s32 $0x1BF5;
	[smem:$0x3FBB] =	sst s0  }
0x18: {  	s0 =	sld [smem:$0x3F9E];
	_ =	swait.ge [sflag:s4], $0x0  }
0x19: {  	s7 =	sld [smem:$0x3F9F]  }
0x1a: {  	s8 =	sadd.s32 $0xFFFFE003, lr  }
0x1b: {  	s9 =	sadd.s32 $0xFFFFFEF7, lr;
	s5 =	simm.s32 $0xFFFFFFFF;
	p2 =	slt.u32 s8, $0xFFFFF086  }
0x1c: {  	p1 =	slt.u32 s9, $0xF7A;
	s5 =	simm.s32 @!p2 $0x0  }
0x1d: {  	s5 =	simm.s32 @p1 $0x1;
	p0 =	seq.s32 s7, s2  }
0x1e: {  	s7 =	smul.u32 @!p0 $0xF7A, s2;
	p2 =	seq.s32 @!p0 s5, $0x0  }
0x1f: {  	s9 =	smul.u32 $0xF7A, s1;
	s8 =	simm.s32 @!p0 $0x1BF5;
	p2 =	por !p2, p0  }
0x20: {  	[sflag:s8] =	ssyncset.s32 @!p0 $0xFFFFF086;
	s6 =	sadd.s32 @!p0 s3, s7;
	s7 =	simm.s32 @!p0 $0x108  }
0x21: {  	s3 =	sadd.s32 s3, s9;
	s6 =	sadd.s32 @!p0 $0x88, s6;
	s7 =	simm.s32 @p2 $0x1082  }
0x22: {  	[simem:s7], [sflag:s8] =	dma.local @!p0 [hbm:s6], $0xF7A  }
0x23: {  	s9 =	sor.u32 $0xD0000000, s2;
	s6 =	simm.s32 $0x108;
	_ =	swait.ge @!p0 [sflag:s8], $0x0  }
0x24: {  	s3 =	sadd.s32 $0x88, s3;
	s6 =	simm.s32 @!p1 $0x1082;
	[sflag:s4] =	ssyncset.s32 $0xFFFFF086  }
0x25: {  	[simem:s6], [sflag:s4] =	dma.local [hbm:s3], $0xF7A  }
0x26: {  	[smem:$0x3F9F] =	sst s1;
	(tag) =	ssettag s2;
	_ =	strace s9  }
0x27: {  	s1 =	sld [smem:$0x3FAF]  }
0x28: {  	s2 =	sld [smem:$0x3FB0]  }
0x29: {  	s4 =	sld [smem:$0x3FB2]  }
0x2a: {  	p0 =	seq.s32 s5, $0x0;
	s5 =	sld [smem:$0x3FB3]  }
0x2b: {  	s6 =	sld [smem:$0x3FB4]  }
0x2c: {  	s7 =	sld [smem:$0x3FB5]  }
0x2d: {  	s3 =	simm.s32 $0x108;
	s8 =	sld [smem:$0x3FB6]  }
0x2e: {  	s3 =	simm.s32 @!p0 $0x1082;
	s9 =	sld [smem:$0x3FB7]  }
0x2f: {  	lr =	sadd.s32 s0, s3;
	s0 =	sld [smem:$0x3FAE]  }
0x30: {  	s3 =	sld [smem:$0x3FB1]  }
0x31: {  	[smem:$0x3FBA] =	sst s10  }
0x32: {  	s10 =	sld [smem:$0x3FB8];
	_ =	sdelay $0x3  }
0x33: {  	p0 =	seq.s32 s10, $0x1;
	s10 =	sld [smem:$0x3FBA];
	_ =	sdelay $0x3  }
0x34: {  	[smem:$0x3FBA] =	sst s10  }
0x35: {  	s10 =	sld [smem:$0x3FB9];
	_ =	sdelay $0x3  }
0x36: {  	p1 =	seq.s32 s10, $0x1;
	s10 =	sld [smem:$0x3FBA];
	_ =	sdelay $0x3  }
0x37: {  	[smem:$0x3FBA] =	sst s10  }
0x38: {  	s10 =	sld [smem:$0x3FBB]  }
0x39: {  	_ = 	snop;
	(pc) =	sbr.ind lr, $3  }
0x3a: {  	_ = 	snop  }
0x3b: {  	_ = 	snop  }
0x3c: {  	p2 =	seq.s32 s10, $0x1;
	s10 =	sld [smem:$0x3FBA]  }
0x3d: {  	_ =	shalt  }
0x3e: {  	_ =	shalt  }
0x3f: {  	_ =	shalt  }
0x40: {  	_ =	shalt  }
0x41: {  	_ =	shalt  }
0x42: {  	_ =	shalt  }
0x43: {  	_ =	shalt  }
0x44: {  	_ =	shalt  }
0x45: {  	_ =	shalt  }
0x46: {  	_ =	shalt  }
0x47: {  	_ =	shalt  }
0x48: {  	_ =	shalt  }
0x49: {  	_ =	shalt  }
0x4a: {  	_ =	shalt  }
0x4b: {  	_ =	shalt  }
0x4c: {  	_ =	shalt  }
0x4d: {  	_ =	shalt  }
0x4e: {  	_ =	shalt  }
0x4f: {  	_ =	shalt  }
0x50: {  	_ =	shalt  }
0x51: {  	_ =	shalt  }
0x52: {  	_ =	shalt  }
0x53: {  	_ =	shalt  }
0x54: {  	_ =	shalt  }
0x55: {  	_ =	shalt  }
0x56: {  	_ =	shalt  }
0x57: {  	_ =	shalt  }
0x58: {  	_ =	shalt  }
0x59: {  	_ =	shalt  }
0x5a: {  	_ =	shalt  }
0x5b: {  	_ =	shalt  }
0x5c: {  	_ =	shalt  }
0x5d: {  	_ =	shalt  }
0x5e: {  	_ =	shalt  }
0x5f: {  	_ =	shalt  }
0x60: {  	_ =	shalt  }
0x61: {  	_ =	shalt  }
0x62: {  	_ =	shalt  }
0x63: {  	_ =	shalt  }
0x64: {  	_ =	shalt  }
0x65: {  	_ =	shalt  }
0x66: {  	_ =	shalt  }
0x67: {  	_ =	shalt  }
0x68: {  	_ =	shalt  }
0x69: {  	_ =	shalt  }
0x6a: {  	_ =	shalt  }
0x6b: {  	_ =	shalt  }
0x6c: {  	_ =	shalt  }
0x6d: {  	_ =	shalt  }
0x6e: {  	_ =	shalt  }
0x6f: {  	_ =	shalt  }
0x70: {  	_ =	shalt  }
0x71: {  	_ =	shalt  }
0x72: {  	_ =	shalt  }
0x73: {  	_ =	shalt  }
0x74: {  	_ =	shalt  }
0x75: {  	_ =	shalt  }
0x76: {  	_ =	shalt  }
0x77: {  	_ =	shalt  }
0x78: {  	_ =	shalt  }
0x79: {  	_ =	shalt  }
0x7a: {  	_ =	shalt  }
0x7b: {  	_ =	shalt  }
0x7c: {  	_ =	shalt  }
0x7d: {  	_ =	shalt  }
0x7e: {  	_ =	shalt  }
0x7f: {  	_ =	shalt  }
0x80: {  	_ =	shalt  }
0x81: {  	_ =	shalt  }
0x82: {  	_ =	shalt  }
0x83: {  	_ =	shalt  }
0x84: {  	_ =	shalt  }
0x85: {  	_ =	shalt  }
0x86: {  	_ =	shalt  }
0x87: {  	_ =	shalt  }
.Lfunc_end0:
.L_simem_size_0:
called_computation_lowered:
.L_overlay_start_0:
0x88: {  	s2 =	sld [smem:$0x3FD9]  }
0x89: {  	s3 =	sld [smem:$0x3FFE];
	_ =	sdelay $0x1  }
0x8a: {  	s1 =	srdreg.scid  }
0x8b: {  	s0 =	sand.u32 $0x1, s1  }
0x8c: {  	s17 =	sshll.u32 s0, $0xA;
	s2 =	sadd.s32 s3, s2  }
0x8d: {  	s2 =	sadd.s32 s2, s17  }
0x8e: {  	[smem:$0x3FC6] =	sst s2  }
0x8f: {  	_ = 	snop  }
0x90: {  	s2 =	sld [smem:$0x3FD0];
	(tm) =	ssettm $0x1  }
0x91: {  	s18 =	sld [smem:$0x3FFB];
	_ =	sdelay $0x3  }
0x92: {  	_ =	strace s18  }
0x93: {  	s3 =	sld [smem:$0x3FFC];
	_ =	sdelay $0x3  }
0x94: {  	_ =	strace s3  }
0x95: {  	s3 =	sld [smem:$0x3FFD];
	_ =	sdelay $0x3  }
0x96: {  	_ =	strace s3  }
0x97: {  	_ =	strace $0x8FFFFFFF  }
0x98: {  	s19 =	sld [smem:$0x3FDB];
	_ =	sdelay $0x1  }
0x99: {  	s4 =	simm.s32 $_scs_section_size  }
0x9a: {  	s5 =	simm.s32 $_size__tile_overlayer_lowered;
	s6 =	simm.s32 $_tile_overlayer_lowered  }
0x9b: {  	s22 =	simm.s32 $0x1BFF;
	s21 =	sshll.u32 s6, $0x1;
	s3 =	sadd.s32 s4, s19  }
0x9c: {  	s7 =	simm.s32 $0x0;
	s20 =	sshll.u32 s5, $0x1;
	s5 =	sadd.s32 s21, s3  }
0x9d: {  	[timem:s7], [sflag:s22] =	dma.local [hbm:s5], s20  }
0x9e: {  	_ =	swait.ge [sflag:s22], s20  }
0x9f: {  	s4 =	ssub.s32 $0x0, s20;
	[sflag:s22] =	ssyncset.done $0x0  }
0xa0: {  	[sflag:s22] =	ssyncadd.s32 s4;
	_ =	sdelay $0x1  }
0xa1: {  	s23 =	simm.s32 $0x1B8B  }
0xa2: {  	_ =	swait.ge [sflag:s23], $0x1  }
0xa3: {  	[sflag:s23] =	ssyncset.done $0x0  }
0xa4: {  	s25 =	simm.s32 $0x1B8E;
	s24 =	sld [smem:$0x3FFE];
	[sflag:s23] =	ssyncadd.s32 $0xFFFFFFFF  }
0xa5: {  	s26 =	simm.s32 $execute0_lowered;
	[smem:$0x3FD2] =	sst s25  }
0xa6: {  	s5 =	sshll.u32 s26, $0x1;
	_ =	strace $0x80000046;
	[dreg:$0x1] =	wrdreg $0xFFFFFFFF  }
0xa7: {  	s28 =	simm.s32 $_size_execute0_lowered;
	s3 =	sadd.s32 s3, s5;
	[dreg:$0x0] =	wrdreg $0x0  }
0xa8: {  	s5 =	sshll.u32 s28, $0x1;
	[dreg:$0x2] =	wrdreg s3  }
0xa9: {  	[dreg:$0x3] =	wrdreg s5  }
0xaa: {  	[dreg:$0x4] =	wrdreg $0xC0  }
0xab: {  	_ =	task [dreg:s7], $0x5FFFF  }
0xac: {  	[dreg:$0x1] =	wrdreg $0xFFFFFFFF  }
0xad: {  	[dreg:$0x0] =	wrdreg $0x60  }
0xae: {  	[dreg:$0x2] =	wrdreg s2  }
0xaf: {  	[dreg:$0x3] =	wrdreg s24  }
0xb0: {  	[dreg:$0x4] =	wrdreg $0x9  }
0xb1: {  	_ =	task.clear_ibuf [dreg:s7], $0x5FFFF;
	_ =	strace $0x90000046  }
0xb2: {  	s29 =	simm.s32 $0x9;
	_ =	strace $0x80000048  }
0xb3: {  	_ =	swait.ge [sflag:s29], $0x1  }
0xb4: {  	[sflag:s29] =	ssyncadd.s32 $0xFFFFFFFF  }
0xb5: {  	_ =	strace $0x90000048  }
0xb6: {  	_ =	sfence  }
0xb7: {  	s30 =	sld [smem:$0x0];
	_ =	sdelay $0x2  }
0xb8: {  	s31 =	sshll.u32 s1, $0xD;
	s1 =	sshrl.u32 s1, $0x2  }
0xb9: {  	s3 =	sand.u32 $0x4000, s31;
	s1 =	sadd.s32 s1, s30  }
0xba: {  	s0 =	sor.u32 s3, s0;
	s1 =	sshll.u32 s1, $0x11  }
0xbb: {  	s0 =	sor.u32 s1, s0  }
0xbc: {  	s0 =	sadd.s32 $0x8F2B, s0  }
0xbd: {  	[sflag:s0] =	ssyncadd.remote.s32 $0x1  }
0xbe: {  	_ =	sfence.sel $0xFFFF  }
0xbf: {  	[dreg:$0x0] =	wrdreg $0xFFFFFFFF;
	(pc) =	sbr.abs _section_cstart, $3  }
0xc0: {  	[dreg:$0x1] =	wrdreg $0xFFFFFFFF  }
0xc1: {  	_ =	task.clear_ibuf [dreg:s7], $0x2FFFF;
	_ =	strace $0x9FFFFFFF  }
0xc2: {  	(tm) =	ssettm $0x7FFFFFFF  }
0xc3: {  	_ =	shalt  }
tec
execute0_lowered:
.L_overlay_start_1:
0x0: {  	(tag) =	ssettag $0x1  }
0x1: {  	s7 =	rddreg [dreg:$0x0];
	s1 =	srdreg.scid  }
0x2: {  	s0 =	stileid.u32;
	s4 =	rddreg [dreg:$0x1]  }
0x3: {  	s2 =	simm.s32 $0x0;
	s10 =	simm.s32 $0xC00;
	s11 =	simm.s32 $0x3  }
0x4: {  	s12 =	simm.s32 $0x120;
	s5 =	sand.u32 $0x1, s1;
	s3 =	sshll.u32 s0, $0x1  }
0x5: {  	s13 =	simm.s32 $0x920;
	s14 =	simm.s32 $0x1;
	s6 =	sor.u32 s5, s3  }
0x6: {  	s15 =	simm.s32 $0x2;
	s16 =	simm.s32 $0x0;
	s3 =	smul.u32 $0x60, s6  }
0x7: {  	[smem:$0x7FF] =	sst s2;
	s5 =	ssub.s32 $0x2, s5;
	s6 =	smul.u32 $0x6000, s6  }
0x8: {  	s1 =	rddreg [dreg:$0x2];
	_ =	strace $0x80000047;
	s9 =	sshrl.u32 s5, $0x1  }
0x9: {  	s9 =	ssub.s32 s5, s9;
	s8 =	sshrl.u32 s3, $0x3;
	s6 =	sadd.s32 s7, s6  }
0xa: {  	s7 =	sadd.s32 $0x100, s7;
	s8 =	sadd.s32 s8, s4;
	s4 =	sadd.s32 $0xA00, s4  }
0xb: {  	v0 =	vlaneseq.u32;
	s5 =	sadd.s32 $0x400, s8;
	s8 =	smax.u32 s9, $0x1;
	s9 =	simm.s32 $0x60  }
.LBB2_1:
0xc: {  	[tilespmem:s2], [sflag:$0x3] =	stream.strided.gather [hbm4b:s5+s9], $0x120, s10, s9, $0x38;
	[tilespmem:$0x5120] =	vst v63  }
0xd: {  	_ =	swait.ge [sflag:s11], $0x120  }
0xe: {  	[sflag:s11] =	ssyncset.done $0x0  }
0xf: {  	[sflag:s11] =	ssyncadd.s32 $0xFFFFFEE0  }
0x10: {  	[tilespmem:s12], [sflag:$0x1] =	stream.linear.gather [hbm4b:s6+s2], $0x800, $0x38;
	[tilespmem:$0x5120] =	vst v63  }
0x11: {  	p0 =	por $0x0, $0x0;
	s17 =	simm.s32 $0x0  }
0x12: {  	[tilespmem:s13], [sflag:$0x1] =	stream.linear.gather [hbm4b:s6+s2], $0x800, $0x38;
	[tilespmem:$0x5120] =	vst v63  }
.LBB2_2:
0x13: {  	s18 =	sand.u32 $0x1, s17;
	p1 =	seq.s32 s17, $0x5F  }
0x14: {  	s19 =	sadd.s32 s3, s17;
	s20 =	sshll.u32 @!p1 s18, $0xC  }
0x15: {  	s21 =	sshll.u32 @!p1 s19, $0x8;
	s22 =	sxor.u32 @!p1 $0x1000, s20  }
0x16: {  	s23 =	simm.s32 @!p1 $0x0;
	s21 =	sadd.s32 @!p1 s21, s7;
	s22 =	sor.u32 @!p1 $0x120, s22  }
0x17: {  	[tilespmem:s22], [sflag:$0x1] =	stream.linear.gather @!p1 [hbm4b:s21+s23], $0x800, $0x38;
	[tilespmem:$0x5120] =	vst v63  }
0x18: {  	s20 =	sxor.u32 @!p1 $0x1920, s20  }
0x19: {  	[tilespmem:s20], [sflag:$0x1] =	stream.linear.gather @!p1 [hbm4b:s21+s23], $0x800, $0x38;
	[tilespmem:$0x5120] =	vst v63  }
0x1a: {  	_ =	swait.ge [sflag:s14], $0x800  }
0x1b: {  	[sflag:s14] =	ssyncset.done $0x0  }
0x1c: {  	[sflag:s14] =	ssyncadd.s32 $0xFFFFF800  }
0x1d: {  	_ =	swait.ge [sflag:s14], $0x800  }
0x1e: {  	p1 =	slt.u32 s17, $0x2;
	[sflag:s14] =	ssyncset.done $0x0  }
0x1f: {  	s20 =	simm.s32 @!p1 $0x2;
	[sflag:s14] =	ssyncadd.s32 $0xFFFFF800  }
0x20: {  	_ =	swait.ge @!p1 [sflag:s20], $0x1800  }
0x21: {  	[sflag:s20] =	ssyncset.done @!p1 $0x0  }
0x22: {  	[sflag:s20] =	ssyncadd.s32 @!p1 $0xFFFFE800;
	s20 =	sand.u32 $0x70, s17  }
0x23: {  	v1 =	vld [tilespmem:s20+$0x0];
	_ =	sdelay $0x2  }
0x24: {  	s24 =	sand.u32 $0xF, s17  }
0x25: {  	v2 =	vmov s24  }
0x26: {  	vm0 =	veq.s32 v2, v0;
	v1 =	vxor.u32 $0x80000000, v1  }
0x27: {  	v1 =	vnsel vm0, $0x80000000, v1  }
0x28: {  	(xrf0) =	vmax.scan.msk.u32 $0xffff, v1;
	_ =	sdelay $0x5  }
0x29: {  	v1, _, _ =	vpop (xrf0)  }
0x2a: {  	(v2sf) =	vpush v1, $0xF;
	_ =	sdelay $0xe  }
0x2b: {  	s26 =	sshll.u32 s18, $0xC;
	s25 =	spop (v2sf)  }
0x2c: {  	s21 =	sor.u32 $0x120, s26;
	s29 =	sand.u32 $0x7, s25  }
0x2d: {  	s23 =	sor.u32 s29, s21  }
0x2e: {  	v1 =	vmov s23;
	_ =	sdelay $0x2  }
0x2f: {  	s28 =	sxor.u32 $0x80000000, s25  }
0x30: {  	s22 =	simm.s32 $0x1;
	s30 =	sand.u32 $0xFFFFFFF8, s28  }
0x31: {  	s22 =	simm.s32 @!p0 $0x0;
	v2 =	vld.idx.msk [tilespmem:v1+s30+$0x0 ss:$0x1], $0xffff  }
0x32: {  	s22 =	smul.u32 $0x6000, s22;
	_ =	sdelay $0x1  }
0x33: {  	s22 =	sshrl.u32 s22, $0x2  }
0x34: {  	s24 =	sor.u32 $0x2160, s22;
	s31 =	sadd.s32 $0x10, s28  }
0x35: {  	s23 =	sand.u32 $0xFFFFFFF8, s31;
	[tilespmem:s24+$0xFFFFFFC0] =	vst v2  }
0x36: {  	v2 =	vld.idx.msk [tilespmem:v1+s23+$0x0 ss:$0x1], $0xffff;
	_ =	sdelay $0x3  }
0x37: {  	s25 =	sadd.s32 $0x20, s28  }
0x38: {  	s23 =	sand.u32 $0xFFFFFFF8, s25;
	[tilespmem:s24+$0xFFFFFFD0] =	vst v2  }
0x39: {  	v2 =	vld.idx.msk [tilespmem:v1+s23+$0x0 ss:$0x1], $0xffff;
	_ =	sdelay $0x3  }
0x3a: {  	s26 =	sadd.s32 $0x30, s28  }
0x3b: {  	s23 =	sand.u32 $0xFFFFFFF8, s26;
	[tilespmem:s24+$0xFFFFFFE0] =	vst v2  }
0x3c: {  	v2 =	vld.idx.msk [tilespmem:v1+s23+$0x0 ss:$0x1], $0xffff;
	_ =	sdelay $0x3  }
0x3d: {  	s29 =	sadd.s32 $0x40, s28  }
0x3e: {  	s23 =	sand.u32 $0xFFFFFFF8, s29;
	[tilespmem:s24+$0xFFFFFFF0] =	vst v2  }
0x3f: {  	v2 =	vld.idx.msk [tilespmem:v1+s23+$0x0 ss:$0x1], $0xffff;
	_ =	sdelay $0x3  }
0x40: {  	s30 =	sadd.s32 $0x50, s28  }
0x41: {  	s23 =	sand.u32 $0xFFFFFFF8, s30;
	[tilespmem:s24+$0x0] =	vst v2  }
0x42: {  	v2 =	vld.idx.msk [tilespmem:v1+s23+$0x0 ss:$0x1], $0xffff;
	_ =	sdelay $0x3  }
0x43: {  	s31 =	sadd.s32 $0x60, s28  }
0x44: {  	s23 =	sand.u32 $0xFFFFFFF8, s31;
	[tilespmem:s24+$0x10] =	vst v2  }
0x45: {  	v2 =	vld.idx.msk [tilespmem:v1+s23+$0x0 ss:$0x1], $0xffff;
	_ =	sdelay $0x3  }
0x46: {  	s26 =	sadd.s32 $0x70, s28  }
0x47: {  	s29 =	sand.u32 $0xFFFFFFF8, s26;
	[tilespmem:s24+$0x20] =	vst v2  }
0x48: {  	v2 =	vld.idx.msk [tilespmem:v1+s29+$0x0 ss:$0x1], $0xffff  }
0x49: {  	s25 =	smul.u32 $0x6000, s18  }
0x4a: {  	s17 =	sadd.s32 $0x1, s17  }
0x4b: {  	s18 =	sadd.s32 $0x3190, s22;
	s23 =	sadd.s32 $0x2990, s22;
	s22 =	sshrl.u32 s25, $0x2  }
0x4c: {  	s28 =	sadd.s32 $0x80, s28;
	s26 =	simm.s32 $0x0;
	s25 =	sor.u32 $0x2120, s22  }
.LBB2_3:
0x4d: {  	s29 =	sand.u32 $0xFFFFFFF8, s28;
	s26 =	sadd.s32 $0x8, s26;
	[tilespmem:s24+$0x30] =	vst v2  }
0x4e: {  	v2 =	vld.idx.msk [tilespmem:v1+s29+$0x0 ss:$0x1], $0xffff;
	p1 =	slt.u32 s26, $0x78;
	_ =	sdelay $0x4  }
0x4f: {  	s24 =	sadd.s32 $0x80, s24;
	s29 =	sadd.s32 $0x10, s28  }
0x50: {  	s29 =	sand.u32 $0xFFFFFFF8, s29;
	[tilespmem:s24+$0xFFFFFFC0] =	vst v2  }
0x51: {  	v2 =	vld.idx.msk [tilespmem:v1+s29+$0x0 ss:$0x1], $0xffff;
	_ =	sdelay $0x4  }
0x52: {  	s29 =	sadd.s32 $0x20, s28  }
0x53: {  	s29 =	sand.u32 $0xFFFFFFF8, s29;
	[tilespmem:s24+$0xFFFFFFD0] =	vst v2  }
0x54: {  	v2 =	vld.idx.msk [tilespmem:v1+s29+$0x0 ss:$0x1], $0xffff;
	_ =	sdelay $0x4  }
0x55: {  	s29 =	sadd.s32 $0x30, s28  }
0x56: {  	s29 =	sand.u32 $0xFFFFFFF8, s29;
	[tilespmem:s24+$0xFFFFFFE0] =	vst v2  }
0x57: {  	v2 =	vld.idx.msk [tilespmem:v1+s29+$0x0 ss:$0x1], $0xffff;
	_ =	sdelay $0x4  }
0x58: {  	s29 =	sadd.s32 $0x40, s28  }
0x59: {  	s29 =	sand.u32 $0xFFFFFFF8, s29;
	[tilespmem:s24+$0xFFFFFFF0] =	vst v2  }
0x5a: {  	v2 =	vld.idx.msk [tilespmem:v1+s29+$0x0 ss:$0x1], $0xffff;
	_ =	sdelay $0x4  }
0x5b: {  	s29 =	sadd.s32 $0x50, s28  }
0x5c: {  	s29 =	sand.u32 $0xFFFFFFF8, s29;
	[tilespmem:s24+$0x0] =	vst v2  }
0x5d: {  	v2 =	vld.idx.msk [tilespmem:v1+s29+$0x0 ss:$0x1], $0xffff;
	_ =	sdelay $0x4  }
0x5e: {  	s29 =	sadd.s32 $0x60, s28  }
0x5f: {  	s29 =	sand.u32 $0xFFFFFFF8, s29;
	[tilespmem:s24+$0x10] =	vst v2  }
0x60: {  	v2 =	vld.idx.msk [tilespmem:v1+s29+$0x0 ss:$0x1], $0xffff;
	_ =	sdelay $0x4  }
0x61: {  	s29 =	sadd.s32 $0x70, s28  }
0x62: {  	s29 =	sand.u32 $0xFFFFFFF8, s29;
	[tilespmem:s24+$0x20] =	vst v2  }
0x63: {  	v2 =	vld.idx.msk [tilespmem:v1+s29+$0x0 ss:$0x1], $0xffff  }
.Ltmp0:
0x64: {  	(pc) =	sbr.rel @p1 .LBB2_3-.Ltmp0, $2  }
0x65: {  	_ =	sdelay $0x2  }
0x66: {  	s28 =	sadd.s32 $0x80, s28  }
0x67: {  	s26 =	sshll.u32 s19, $0x8  }
0x68: {  	[tilespmem:s24+$0x30] =	vst v2;
	s26 =	sadd.s32 s4, s26  }
0x69: {  	[hbm4b:s26+s2] =	stream.linear.scatter [tilespmem:s25], [sflag:$0x2], $0x800, $0x38;
	[tilespmem:$0x5120] =	vst v63  }
0x6a: {  	v1 =	vld [tilespmem:s20+$0x60];
	_ =	sdelay $0x4  }
0x6b: {  	v1 =	vxor.u32 $0x80000000, v1  }
0x6c: {  	v1 =	vnsel vm0, $0x80000000, v1  }
0x6d: {  	(xrf0) =	vmax.scan.msk.u32 $0xffff, v1;
	_ =	sdelay $0x5  }
0x6e: {  	v1, _, _ =	vpop (xrf0)  }
0x6f: {  	(v2sf) =	vpush v1, $0xF;
	_ =	sdelay $0xe  }
0x70: {  	s28 =	spop (v2sf)  }
0x71: {  	s29 =	sand.u32 $0x7, s28  }
0x72: {  	s25 =	sadd.s32 s29, s21  }
0x73: {  	v1 =	vmov s25;
	_ =	sdelay $0x2  }
0x74: {  	s26 =	sxor.u32 $0x80000000, s28  }
0x75: {  	s24 =	sand.u32 $0xFFFFFFF8, s26  }
0x76: {  	v2 =	vld.idx.msk [tilespmem:v1+s24+$0x0 ss:$0x1], $0xffff;
	_ =	sdelay $0x3  }
0x77: {  	s30 =	sadd.s32 $0x10, s26  }
0x78: {  	s24 =	sand.u32 $0xFFFFFFF8, s30;
	[tilespmem:s23+$0xFFFFFF90] =	vst v2  }
0x79: {  	v2 =	vld.idx.msk [tilespmem:v1+s24+$0x0 ss:$0x1], $0xffff;
	_ =	sdelay $0x3  }
0x7a: {  	s31 =	sadd.s32 $0x20, s26  }
0x7b: {  	s24 =	sand.u32 $0xFFFFFFF8, s31;
	[tilespmem:s23+$0xFFFFFFA0] =	vst v2  }
0x7c: {  	v2 =	vld.idx.msk [tilespmem:v1+s24+$0x0 ss:$0x1], $0xffff;
	_ =	sdelay $0x3  }
0x7d: {  	s25 =	sadd.s32 $0x30, s26  }
0x7e: {  	s24 =	sand.u32 $0xFFFFFFF8, s25;
	[tilespmem:s23+$0xFFFFFFB0] =	vst v2  }
0x7f: {  	v2 =	vld.idx.msk [tilespmem:v1+s24+$0x0 ss:$0x1], $0xffff;
	_ =	sdelay $0x3  }
0x80: {  	s28 =	sadd.s32 $0x40, s26  }
0x81: {  	s24 =	sand.u32 $0xFFFFFFF8, s28;
	[tilespmem:s23+$0xFFFFFFC0] =	vst v2  }
0x82: {  	v2 =	vld.idx.msk [tilespmem:v1+s24+$0x0 ss:$0x1], $0xffff;
	_ =	sdelay $0x3  }
0x83: {  	s29 =	sadd.s32 $0x50, s26  }
0x84: {  	s24 =	sand.u32 $0xFFFFFFF8, s29;
	[tilespmem:s23+$0xFFFFFFD0] =	vst v2  }
0x85: {  	v2 =	vld.idx.msk [tilespmem:v1+s24+$0x0 ss:$0x1], $0xffff;
	_ =	sdelay $0x3  }
0x86: {  	s30 =	sadd.s32 $0x60, s26  }
0x87: {  	s24 =	sand.u32 $0xFFFFFFF8, s30;
	[tilespmem:s23+$0xFFFFFFE0] =	vst v2  }
0x88: {  	v2 =	vld.idx.msk [tilespmem:v1+s24+$0x0 ss:$0x1], $0xffff;
	_ =	sdelay $0x3  }
0x89: {  	s31 =	sadd.s32 $0x70, s26  }
0x8a: {  	s28 =	sand.u32 $0xFFFFFFF8, s31;
	[tilespmem:s23+$0xFFFFFFF0] =	vst v2  }
0x8b: {  	v2 =	vld.idx.msk [tilespmem:v1+s28+$0x0 ss:$0x1], $0xffff;
	_ =	sdelay $0x3  }
0x8c: {  	s26 =	sadd.s32 $0x80, s26;
	s25 =	simm.s32 $0x0;
	s24 =	sadd.s32 $0x2920, s22  }
.LBB2_5:
0x8d: {  	s28 =	sand.u32 $0xFFFFFFF8, s26;
	s25 =	sadd.s32 $0x8, s25;
	[tilespmem:s23+$0x0] =	vst v2  }
0x8e: {  	v2 =	vld.idx.msk [tilespmem:v1+s28+$0x0 ss:$0x1], $0xffff;
	p1 =	slt.u32 s25, $0x78;
	_ =	sdelay $0x4  }
0x8f: {  	s23 =	sadd.s32 $0x80, s23;
	s28 =	sadd.s32 $0x10, s26  }
0x90: {  	s28 =	sand.u32 $0xFFFFFFF8, s28;
	[tilespmem:s23+$0xFFFFFF90] =	vst v2  }
0x91: {  	v2 =	vld.idx.msk [tilespmem:v1+s28+$0x0 ss:$0x1], $0xffff;
	_ =	sdelay $0x4  }
0x92: {  	s28 =	sadd.s32 $0x20, s26  }
0x93: {  	s28 =	sand.u32 $0xFFFFFFF8, s28;
	[tilespmem:s23+$0xFFFFFFA0] =	vst v2  }
0x94: {  	v2 =	vld.idx.msk [tilespmem:v1+s28+$0x0 ss:$0x1], $0xffff;
	_ =	sdelay $0x4  }
0x95: {  	s28 =	sadd.s32 $0x30, s26  }
0x96: {  	s28 =	sand.u32 $0xFFFFFFF8, s28;
	[tilespmem:s23+$0xFFFFFFB0] =	vst v2  }
0x97: {  	v2 =	vld.idx.msk [tilespmem:v1+s28+$0x0 ss:$0x1], $0xffff;
	_ =	sdelay $0x4  }
0x98: {  	s28 =	sadd.s32 $0x40, s26  }
0x99: {  	s28 =	sand.u32 $0xFFFFFFF8, s28;
	[tilespmem:s23+$0xFFFFFFC0] =	vst v2  }
0x9a: {  	v2 =	vld.idx.msk [tilespmem:v1+s28+$0x0 ss:$0x1], $0xffff;
	_ =	sdelay $0x4  }
0x9b: {  	s28 =	sadd.s32 $0x50, s26  }
0x9c: {  	s28 =	sand.u32 $0xFFFFFFF8, s28;
	[tilespmem:s23+$0xFFFFFFD0] =	vst v2  }
0x9d: {  	v2 =	vld.idx.msk [tilespmem:v1+s28+$0x0 ss:$0x1], $0xffff;
	_ =	sdelay $0x4  }
0x9e: {  	s28 =	sadd.s32 $0x60, s26  }
0x9f: {  	s28 =	sand.u32 $0xFFFFFFF8, s28;
	[tilespmem:s23+$0xFFFFFFE0] =	vst v2  }
0xa0: {  	v2 =	vld.idx.msk [tilespmem:v1+s28+$0x0 ss:$0x1], $0xffff;
	_ =	sdelay $0x4  }
0xa1: {  	s28 =	sadd.s32 $0x70, s26  }
0xa2: {  	s28 =	sand.u32 $0xFFFFFFF8, s28;
	[tilespmem:s23+$0xFFFFFFF0] =	vst v2  }
0xa3: {  	v2 =	vld.idx.msk [tilespmem:v1+s28+$0x0 ss:$0x1], $0xffff  }
.Ltmp1:
0xa4: {  	(pc) =	sbr.rel @p1 .LBB2_5-.Ltmp1, $2  }
0xa5: {  	_ =	sdelay $0x2  }
0xa6: {  	s26 =	sadd.s32 $0x80, s26  }
0xa7: {  	s19 =	sshll.u32 s19, $0xB  }
0xa8: {  	s19 =	sshrl.u32 s19, $0x3  }
0xa9: {  	s19 =	sadd.s32 s4, s19  }
0xaa: {  	[tilespmem:s23+$0x0] =	vst v2;
	s29 =	sadd.s32 $0xC0000, s19  }
0xab: {  	[hbm4b:s29+s2] =	stream.linear.scatter [tilespmem:s24], [sflag:$0x2], $0x800, $0x38;
	[tilespmem:$0x5120] =	vst v63  }
0xac: {  	v1 =	vld [tilespmem:s20+$0xC0];
	_ =	sdelay $0x4  }
0xad: {  	v1 =	vxor.u32 $0x80000000, v1  }
0xae: {  	v1 =	vnsel vm0, $0x80000000, v1  }
0xaf: {  	(xrf0) =	vmax.scan.msk.u32 $0xffff, v1;
	_ =	sdelay $0x5  }
0xb0: {  	v1, _, _ =	vpop (xrf0)  }
0xb1: {  	(v2sf) =	vpush v1, $0xF;
	_ =	sdelay $0xe  }
0xb2: {  	s30 =	spop (v2sf)  }
0xb3: {  	s31 =	sand.u32 $0x7, s30  }
0xb4: {  	s21 =	sadd.s32 s31, s21  }
0xb5: {  	v1 =	vmov s21;
	_ =	sdelay $0x2  }
0xb6: {  	s23 =	sxor.u32 $0x80000000, s30  }
0xb7: {  	s20 =	sand.u32 $0xFFFFFFF8, s23  }
0xb8: {  	v2 =	vld.idx.msk [tilespmem:v1+s20+$0x0 ss:$0x1], $0xffff;
	_ =	sdelay $0x3  }
0xb9: {  	s21 =	sadd.s32 $0x10, s23  }
0xba: {  	s20 =	sand.u32 $0xFFFFFFF8, s21;
	[tilespmem:s18+$0xFFFFFF90] =	vst v2  }
0xbb: {  	v2 =	vld.idx.msk [tilespmem:v1+s20+$0x0 ss:$0x1], $0xffff;
	_ =	sdelay $0x3  }
0xbc: {  	s24 =	sadd.s32 $0x20, s23  }
0xbd: {  	s20 =	sand.u32 $0xFFFFFFF8, s24;
	[tilespmem:s18+$0xFFFFFFA0] =	vst v2  }
0xbe: {  	v2 =	vld.idx.msk [tilespmem:v1+s20+$0x0 ss:$0x1], $0xffff;
	_ =	sdelay $0x3  }
0xbf: {  	s25 =	sadd.s32 $0x30, s23  }
0xc0: {  	s20 =	sand.u32 $0xFFFFFFF8, s25;
	[tilespmem:s18+$0xFFFFFFB0] =	vst v2  }
0xc1: {  	v2 =	vld.idx.msk [tilespmem:v1+s20+$0x0 ss:$0x1], $0xffff;
	_ =	sdelay $0x3  }
0xc2: {  	s26 =	sadd.s32 $0x40, s23  }
0xc3: {  	s20 =	sand.u32 $0xFFFFFFF8, s26;
	[tilespmem:s18+$0xFFFFFFC0] =	vst v2  }
0xc4: {  	v2 =	vld.idx.msk [tilespmem:v1+s20+$0x0 ss:$0x1], $0xffff;
	_ =	sdelay $0x3  }
0xc5: {  	s28 =	sadd.s32 $0x50, s23  }
0xc6: {  	s20 =	sand.u32 $0xFFFFFFF8, s28;
	[tilespmem:s18+$0xFFFFFFD0] =	vst v2  }
0xc7: {  	v2 =	vld.idx.msk [tilespmem:v1+s20+$0x0 ss:$0x1], $0xffff;
	_ =	sdelay $0x3  }
0xc8: {  	s29 =	sadd.s32 $0x60, s23  }
0xc9: {  	s20 =	sand.u32 $0xFFFFFFF8, s29;
	[tilespmem:s18+$0xFFFFFFE0] =	vst v2  }
0xca: {  	v2 =	vld.idx.msk [tilespmem:v1+s20+$0x0 ss:$0x1], $0xffff;
	_ =	sdelay $0x3  }
0xcb: {  	s30 =	sadd.s32 $0x70, s23  }
0xcc: {  	s31 =	sand.u32 $0xFFFFFFF8, s30;
	[tilespmem:s18+$0xFFFFFFF0] =	vst v2  }
0xcd: {  	v2 =	vld.idx.msk [tilespmem:v1+s31+$0x0 ss:$0x1], $0xffff;
	_ =	sdelay $0x3  }
0xce: {  	s21 =	simm.s32 $0x0;
	s20 =	sadd.s32 $0x3120, s22;
	s22 =	sadd.s32 $0x80, s23  }
.LBB2_7:
0xcf: {  	s23 =	sand.u32 $0xFFFFFFF8, s22;
	s21 =	sadd.s32 $0x8, s21;
	[tilespmem:s18+$0x0] =	vst v2  }
0xd0: {  	v2 =	vld.idx.msk [tilespmem:v1+s23+$0x0 ss:$0x1], $0xffff;
	p1 =	slt.u32 s21, $0x78;
	_ =	sdelay $0x4  }
0xd1: {  	s18 =	sadd.s32 $0x80, s18;
	s23 =	sadd.s32 $0x10, s22  }
0xd2: {  	s23 =	sand.u32 $0xFFFFFFF8, s23;
	[tilespmem:s18+$0xFFFFFF90] =	vst v2  }
0xd3: {  	v2 =	vld.idx.msk [tilespmem:v1+s23+$0x0 ss:$0x1], $0xffff;
	_ =	sdelay $0x4  }
0xd4: {  	s23 =	sadd.s32 $0x20, s22  }
0xd5: {  	s23 =	sand.u32 $0xFFFFFFF8, s23;
	[tilespmem:s18+$0xFFFFFFA0] =	vst v2  }
0xd6: {  	v2 =	vld.idx.msk [tilespmem:v1+s23+$0x0 ss:$0x1], $0xffff;
	_ =	sdelay $0x4  }
0xd7: {  	s23 =	sadd.s32 $0x30, s22  }
0xd8: {  	s23 =	sand.u32 $0xFFFFFFF8, s23;
	[tilespmem:s18+$0xFFFFFFB0] =	vst v2  }
0xd9: {  	v2 =	vld.idx.msk [tilespmem:v1+s23+$0x0 ss:$0x1], $0xffff;
	_ =	sdelay $0x4  }
0xda: {  	s23 =	sadd.s32 $0x40, s22  }
0xdb: {  	s23 =	sand.u32 $0xFFFFFFF8, s23;
	[tilespmem:s18+$0xFFFFFFC0] =	vst v2  }
0xdc: {  	v2 =	vld.idx.msk [tilespmem:v1+s23+$0x0 ss:$0x1], $0xffff;
	_ =	sdelay $0x4  }
0xdd: {  	s23 =	sadd.s32 $0x50, s22  }
0xde: {  	s23 =	sand.u32 $0xFFFFFFF8, s23;
	[tilespmem:s18+$0xFFFFFFD0] =	vst v2  }
0xdf: {  	v2 =	vld.idx.msk [tilespmem:v1+s23+$0x0 ss:$0x1], $0xffff;
	_ =	sdelay $0x4  }
0xe0: {  	s23 =	sadd.s32 $0x60, s22  }
0xe1: {  	s23 =	sand.u32 $0xFFFFFFF8, s23;
	[tilespmem:s18+$0xFFFFFFE0] =	vst v2  }
0xe2: {  	v2 =	vld.idx.msk [tilespmem:v1+s23+$0x0 ss:$0x1], $0xffff;
	_ =	sdelay $0x4  }
0xe3: {  	s23 =	sadd.s32 $0x70, s22  }
0xe4: {  	s23 =	sand.u32 $0xFFFFFFF8, s23;
	[tilespmem:s18+$0xFFFFFFF0] =	vst v2  }
0xe5: {  	v2 =	vld.idx.msk [tilespmem:v1+s23+$0x0 ss:$0x1], $0xffff  }
.Ltmp2:
0xe6: {  	(pc) =	sbr.rel @p1 .LBB2_7-.Ltmp2, $2  }
0xe7: {  	_ =	sdelay $0x2  }
0xe8: {  	s22 =	sadd.s32 $0x80, s22  }
0xe9: {  	p1 =	sne.s32 s17, $0x60  }
.Ltmp3:
0xea: {  	_ = 	snop;
	(pc) =	sbr.rel @p1 .LBB2_2-.Ltmp3, $3  }
0xeb: {  	_ =	sdelay $0x1  }
0xec: {  	[tilespmem:s18+$0x0] =	vst v2;
	s31 =	sadd.s32 $0x180000, s19;
	p0 =	por !p0, !p0  }
0xed: {  	[hbm4b:s31+s2] =	stream.linear.scatter [tilespmem:s20], [sflag:$0x2], $0x800, $0x38;
	[tilespmem:$0x5120] =	vst v63  }
0xee: {  	s16 =	sadd.s32 $0x1, s16  }
0xef: {  	_ =	swait.ge [sflag:s15], $0x1800;
	p0 =	sne.s32 s16, s8  }
.Ltmp4:
0xf0: {  	[sflag:s15] =	ssyncset.done $0x0;
	(pc) =	sbr.rel @p0 .LBB2_1-.Ltmp4, $4  }
0xf1: {  	[sflag:s15] =	ssyncadd.s32 $0xFFFFE800  }
0xf2: {  	_ =	swait.ge [sflag:s15], $0x1800  }
0xf3: {  	[sflag:s15] =	ssyncset.done $0x0  }
0xf4: {  	[sflag:s15] =	ssyncadd.s32 $0xFFFFE800  }
0xf5: {  	_ =	sfence.sel $0x180000  }
0xf6: {  	[bflag:$0x0] =	sbarrier.arrive $0xFFFF  }
0xf7: {  	p0 =	sne.s32 s0, $0x0;
	_ =	strace $0x90000047  }
0xf8: {  	s0 =	sadd.s32 @!p0 $0x100000, s1;
	[bflag:$0x2] =	sbarrier.arrive $0xFFFF  }
0xf9: {  	[sflag:s0] =	ssyncadd.tile.s32 @!p0 $0x1;
	_ =	shalt  }
.Lfunc_end2:
_tile_overlayer_lowered:
.L_overlay_start_2:
0xfa: {  	(tag) =	ssettag $0x2  }
0xfb: {  	s0 =	rddreg [dreg:$0x0];
	s2 =	stileid.u32  }
0xfc: {  	s1 =	rddreg [dreg:$0x1];
	p0 =	sne.s32 s2, $0x0  }
0xfd: {  	s3 =	rddreg [dreg:$0x2];
	[bflag:$0x3] =	sbarrier.arrive $0xFFFF;
	s2 =	simm.s32 @!p0 $0x1C03  }
0xfe: {  	[timem:s3], [sflag:s2] =	dma.local @!p0 [hbm:s0], s1  }
0xff: {  	s0 =	simm.s32 @!p0 $0x3  }
0x100: {  	_ =	swait.ge @!p0 [sflag:s0], s1  }
0x101: {  	s1 =	ssub.s32 @!p0 $0x0, s1;
	[sflag:s0] =	ssyncset.done @!p0 $0x0  }
0x102: {  	[sflag:s0] =	ssyncadd.s32 @!p0 s1  }
0x103: {  	[bflag:$0x3] =	sbarrier.arrive $0xFFFF  }
0x104: {  	_ =	shalt  }

</sc_bundles>
